<compile_context>
chip_gen: v7x
topology: tpu7x:2x2x1
jax: 0.10.2.dev20260603
libtpu: 0.0.44.dev20260713+nightly
codegen_flags: <defaults>
</compile_context>

<pallas_src>
import jax
import jax.numpy as jnp
from jax import lax
from jax.experimental import pallas as pl
from jax.experimental.pallas import tpu as pltpu
from jax.experimental.pallas import tpu_sc as plsc

VOCAB = 100000
WEAPON_VOCAB = 1000
B = 1024
HIST = 200
EMB = 4

NUM_CORES = 2
NUM_SUBCORES = 16
NW = NUM_CORES * NUM_SUBCORES
B_PER_W = B // NW
E_PER_W = B_PER_W * HIST * EMB
O_PER_W = B_PER_W * EMB
NVEC = 16


def _sc_pool_body(ab_table, ab_idx, wp_table, wp_idx, x_out,
                  idx2_v, i40, i41, i42, i43, r0, r1, r2, r3,
                  widx_v, widx4_v, wrows_v, out_v,
                  s0, s1, s2, s3, wsem):
    wid = lax.axis_index("s") * NUM_CORES + lax.axis_index("c")

    pltpu.sync_copy(ab_idx.at[pl.ds(wid * B_PER_W, B_PER_W)], idx2_v)
    pltpu.sync_copy(wp_idx.at[pl.ds(wid * B_PER_W, B_PER_W)], widx_v)

    lanes = lax.iota(jnp.int32, NVEC)
    sub = lanes >> 2
    elem = lanes & 3
    zero = jnp.zeros((NVEC,), jnp.int32)

    GROUPS = 4
    GB = B_PER_W // GROUPS
    GSEC = GB * HIST
    idx4_g = [i40, i41, i42, i43]
    rows_g = [r0, r1, r2, r3]
    sem_g = [s0, s1, s2, s3]
    copies = []

    for g in range(GROUPS):
        i4v = idx4_g[g]

        def exp_body(t, carry, i4v=i4v):
            rowv, colv = carry
            m = plsc.load_gather(idx2_v, [rowv, colv]) * EMB
            base = t * NVEC
            i4v[pl.ds(base, NVEC)] = m
            i4v[pl.ds(GSEC + base, NVEC)] = m + 1
            i4v[pl.ds(2 * GSEC + base, NVEC)] = m + 2
            i4v[pl.ds(3 * GSEC + base, NVEC)] = m + 3
            colv = colv + NVEC
            wrap = colv >= HIST
            colv = jnp.where(wrap, colv - HIST, colv)
            return rowv + wrap.astype(jnp.int32), colv

        lax.fori_loop(0, GSEC // NVEC, exp_body, (zero + g * GB, lanes))
        copies.append(pltpu.async_copy(ab_table.at[i4v], rows_g[g], sem_g[g]))

    for v in range(O_PER_W // NVEC):
        wvals = plsc.load_gather(widx_v, [v * 4 + sub, zero])
        widx4_v[pl.ds(v * NVEC, NVEC)] = wvals * EMB + elem
    wcopy = pltpu.async_copy(wp_table.at[widx4_v], wrows_v, sem=wsem)
    wcopy.wait()

    for g in range(GROUPS):
        copies[g].wait()
        rv = rows_g[g]
        for v in range(GB * EMB // NVEC):
            o = g * GB * EMB + v * NVEC
            acc = wrows_v[pl.ds(o, NVEC)]
            ebase = elem * GSEC + (v * 4 + sub) * HIST

            def body(i, acc, rv=rv, ebase=ebase):
                i4 = i * 4
                g0 = plsc.load_gather(rv, [ebase + i4])
                g1 = plsc.load_gather(rv, [ebase + (i4 + 1)])
                g2 = plsc.load_gather(rv, [ebase + (i4 + 2)])
                g3 = plsc.load_gather(rv, [ebase + (i4 + 3)])
                return acc + ((g0 + g1) + (g2 + g3))

            acc = lax.fori_loop(0, HIST // 4, body, acc)
            out_v[pl.ds(o, NVEC)] = acc

    pltpu.sync_copy(out_v, x_out.at[pl.ds(wid * O_PER_W, O_PER_W)])


def _sc_pool(ab_idx, wp_idx, at_flat, wt_flat):
    mesh = plsc.VectorSubcoreMesh(core_axis_name="c", subcore_axis_name="s",
                                  num_cores=NUM_CORES,
                                  num_subcores=NUM_SUBCORES)
    fn = pl.kernel(
        _sc_pool_body,
        out_type=jax.ShapeDtypeStruct((B * EMB,), jnp.float32),
        mesh=mesh,
        compiler_params=pltpu.CompilerParams(needs_layout_passes=False),
        scratch_types=(
            [pltpu.VMEM((B_PER_W, HIST), jnp.int32)]
            + [pltpu.VMEM((E_PER_W // 4,), jnp.int32)] * 4
            + [pltpu.VMEM((E_PER_W // 4,), jnp.float32)] * 4
            + [
                pltpu.VMEM((B_PER_W, 1), jnp.int32),
                pltpu.VMEM((O_PER_W,), jnp.int32),
                pltpu.VMEM((O_PER_W,), jnp.float32),
                pltpu.VMEM((O_PER_W,), jnp.float32),
            ]
            + [pltpu.SemaphoreType.DMA] * 5
        ),
    )
    return fn(at_flat, ab_idx, wt_flat, wp_idx)


B_TILE = 16


def _tc_linear_body(x_ref, w_ref, b_ref, o_ref):
    o_ref[...] = lax.dot_general(
        x_ref[...], w_ref[...], (((1,), (0,)), ((), ())),
        preferred_element_type=jnp.float32) + b_ref[...]


def _tc_linear(x2d, W, b2d):
    nb = B // B_TILE
    return pl.pallas_call(
        _tc_linear_body,
        grid=(nb,),
        in_specs=[
            pl.BlockSpec((B_TILE, EMB), lambda i: (i, 0)),
            pl.BlockSpec((EMB, VOCAB), lambda i: (0, 0)),
            pl.BlockSpec((1, VOCAB), lambda i: (0, 0)),
        ],
        out_specs=pl.BlockSpec((B_TILE, VOCAB), lambda i: (i, 0)),
        out_shape=jax.ShapeDtypeStruct((B, VOCAB), jnp.float32),
    )(x2d, W, b2d)


def kernel(abilities, weapons, ability_table, weapon_table, W, b):
    ab_idx = abilities if abilities.dtype == jnp.int32 else (
        abilities.astype(jnp.int32))
    wp_idx = weapons if weapons.dtype == jnp.int32 else (
        weapons.astype(jnp.int32))
    x = _sc_pool(ab_idx, wp_idx,
                 ability_table.reshape(-1), weapon_table.reshape(-1))
    x2d = x.reshape(B, EMB)
    return _tc_linear(x2d, W, b.reshape(1, VOCAB))

# --- scband reference (transcript-rebuilt; emitter-appended) ---
"""Pipeline reference for scband-dummy-model-23467701305355 (READ-ONLY COPY).

The authoritative reference and input builder live on the scoring server;
editing this copy changes nothing except your own understanding.
"""

import jax, jax.numpy as jnp
import numpy as np

VOCAB = 100000
WEAPON_VOCAB = 1000
B = 1024
HIST = 200
EMB = 4


def setup_inputs(seed: int = 0) -> dict:
    key = jax.random.key(seed)
    k1, k2, k3, k4, k5, k6 = jax.random.split(key, 6)
    abilities = jax.random.randint(k1, (B, HIST), 0, VOCAB, dtype=jnp.int64) if jax.config.jax_enable_x64 else jax.random.randint(k1, (B, HIST), 0, VOCAB, dtype=jnp.int32)
    weapons = jax.random.randint(k2, (B, 1), 0, WEAPON_VOCAB, dtype=jnp.int32)
    ability_table = jax.random.normal(k3, (VOCAB, EMB), dtype=jnp.float32)
    weapon_table = jax.random.normal(k4, (WEAPON_VOCAB, EMB), dtype=jnp.float32)
    W = jax.random.normal(k5, (EMB, VOCAB), dtype=jnp.float32) * (1.0 / np.sqrt(EMB))
    b = jax.random.normal(k6, (VOCAB,), dtype=jnp.float32) * 0.01
    return {"abilities": abilities, "weapons": weapons, "ability_table": ability_table, "weapon_table": weapon_table, "W": W, "b": b}


def reference(abilities, weapons, ability_table, weapon_table, W, b):
    # x = ability_embed(abilities).sum(dim=1) + weapon_embed(weapons).squeeze(1)
    ab = jnp.take(ability_table, abilities, axis=0)          # [B, HIST, EMB]
    wp = jnp.take(weapon_table, weapons, axis=0)             # [B, 1, EMB]
    x = ab.sum(axis=1) + jnp.squeeze(wp, axis=1)             # [B, EMB]
    # fc: Linear(EMB, VOCAB)
    return x @ W + b                                          # [B, VOCAB]

if __name__ == "__main__":
    import jax
    _d = setup_inputs()
    print(jax.jit(kernel)(*tuple(_d.values())))

</pallas_src>

<mosaic_0001>
#map = affine_map<(d0, d1) -> (0)>
#map1 = affine_map<(d0, d1) -> (0, 0)>
module attributes {stable_mosaic.version = 14 : i64} {
  func.func @_sc_pool_body(%arg0: i32, %arg1: i32, %arg2: memref<400000xf32, #tpu.memory_space<hbm>>, %arg3: memref<1024x200xi32, #tpu.memory_space<hbm>>, %arg4: memref<4000xf32, #tpu.memory_space<hbm>>, %arg5: memref<1024x1xi32, #tpu.memory_space<hbm>>, %arg6: memref<4096xf32, #tpu.memory_space<hbm>>, %arg7: memref<32x200xi32, #tpu.memory_space<vmem>>, %arg8: memref<6400xi32, #tpu.memory_space<vmem>>, %arg9: memref<6400xi32, #tpu.memory_space<vmem>>, %arg10: memref<6400xi32, #tpu.memory_space<vmem>>, %arg11: memref<6400xi32, #tpu.memory_space<vmem>>, %arg12: memref<6400xf32, #tpu.memory_space<vmem>>, %arg13: memref<6400xf32, #tpu.memory_space<vmem>>, %arg14: memref<6400xf32, #tpu.memory_space<vmem>>, %arg15: memref<6400xf32, #tpu.memory_space<vmem>>, %arg16: memref<32x1xi32, #tpu.memory_space<vmem>>, %arg17: memref<128xi32, #tpu.memory_space<vmem>>, %arg18: memref<128xf32, #tpu.memory_space<vmem>>, %arg19: memref<128xf32, #tpu.memory_space<vmem>>, %arg20: memref<!tpu.dma_semaphore, #tpu.memory_space<semaphore_mem>>, %arg21: memref<!tpu.dma_semaphore, #tpu.memory_space<semaphore_mem>>, %arg22: memref<!tpu.dma_semaphore, #tpu.memory_space<semaphore_mem>>, %arg23: memref<!tpu.dma_semaphore, #tpu.memory_space<semaphore_mem>>, %arg24: memref<!tpu.dma_semaphore, #tpu.memory_space<semaphore_mem>>) attributes {dimension_semantics = [#tpu.dimension_semantics<core_parallel>, #tpu.dimension_semantics<subcore_parallel>], iteration_bounds = array<i64: 2, 16>, scalar_prefetch = 0 : i64, scratch_operands = 18 : i64, tpu.core_type = #tpu.core_type<sc_vector_subcore>, window_params = [{transform_indices = #map}, {transform_indices = #map1}, {transform_indices = #map}, {transform_indices = #map1}, {transform_indices = #map}]} {
    %mul3A = arith.constant 2 : i32
    %mul3A_0 = arith.muli %arg1, %mul3A : i32
    %add3A = arith.addi %mul3A_0, %arg0 : i32
    %mul3A_1 = arith.constant 32 : i32
    %mul3A_2 = arith.muli %add3A, %mul3A_1 : i32
    "tpu.region"() ({
      %run_scoped3A = tpu.sem_alloc : memref<!tpu.dma_semaphore, #tpu.memory_space<semaphore_mem>>
      %dma_start3A_302 = arith.constant 0 : i32
      %dma_start3A_303 = tpu.memref_slice %arg3[%mul3A_2, %dma_start3A_302] : memref<1024x200xi32, #tpu.memory_space<hbm>> -> memref<32x200xi32, #tpu.memory_space<hbm>>
      %dma_start3A_304 = arith.constant 0 : i32
      %dma_start3A_305 = tpu.memref_slice %arg3[%mul3A_2, %dma_start3A_304] : memref<1024x200xi32, #tpu.memory_space<hbm>> -> memref<32x200xi32, #tpu.memory_space<hbm>>
      tpu.enqueue_dma source(%dma_start3A_305 : memref<32x200xi32, #tpu.memory_space<hbm>>) target(%arg7 : memref<32x200xi32, #tpu.memory_space<vmem>>) target_semaphore(%run_scoped3A : memref<!tpu.dma_semaphore, #tpu.memory_space<semaphore_mem>>)
      %dma_wait3A_306 = arith.constant 0 : i32
      %dma_wait3A_307 = tpu.memref_slice %arg3[%mul3A_2, %dma_wait3A_306] : memref<1024x200xi32, #tpu.memory_space<hbm>> -> memref<32x200xi32, #tpu.memory_space<hbm>>
      %dma_wait3A_308 = arith.constant 0 : i32
      %dma_wait3A_309 = tpu.memref_slice %arg3[%mul3A_2, %dma_wait3A_308] : memref<1024x200xi32, #tpu.memory_space<hbm>> -> memref<32x200xi32, #tpu.memory_space<hbm>>
      tpu.wait_dma2 semaphore(%run_scoped3A : memref<!tpu.dma_semaphore, #tpu.memory_space<semaphore_mem>>) src(%dma_wait3A_309 : memref<32x200xi32, #tpu.memory_space<hbm>>) dst(%arg7 : memref<32x200xi32, #tpu.memory_space<vmem>>)
      tpu.yield
    }) : () -> ()
    %mul3A_3 = arith.constant 32 : i32
    %mul3A_4 = arith.muli %add3A, %mul3A_3 : i32
    "tpu.region"() ({
      %run_scoped3A = tpu.sem_alloc : memref<!tpu.dma_semaphore, #tpu.memory_space<semaphore_mem>>
      %dma_start3A_302 = arith.constant 0 : i32
      %dma_start3A_303 = tpu.memref_slice %arg5[%mul3A_4, %dma_start3A_302] : memref<1024x1xi32, #tpu.memory_space<hbm>> -> memref<32x1xi32, #tpu.memory_space<hbm>>
      %dma_start3A_304 = arith.constant 0 : i32
      %dma_start3A_305 = tpu.memref_slice %arg5[%mul3A_4, %dma_start3A_304] : memref<1024x1xi32, #tpu.memory_space<hbm>> -> memref<32x1xi32, #tpu.memory_space<hbm>>
      tpu.enqueue_dma source(%dma_start3A_305 : memref<32x1xi32, #tpu.memory_space<hbm>>) target(%arg16 : memref<32x1xi32, #tpu.memory_space<vmem>>) target_semaphore(%run_scoped3A : memref<!tpu.dma_semaphore, #tpu.memory_space<semaphore_mem>>)
      %dma_wait3A_306 = arith.constant 0 : i32
      %dma_wait3A_307 = tpu.memref_slice %arg5[%mul3A_4, %dma_wait3A_306] : memref<1024x1xi32, #tpu.memory_space<hbm>> -> memref<32x1xi32, #tpu.memory_space<hbm>>
      %dma_wait3A_308 = arith.constant 0 : i32
      %dma_wait3A_309 = tpu.memref_slice %arg5[%mul3A_4, %dma_wait3A_308] : memref<1024x1xi32, #tpu.memory_space<hbm>> -> memref<32x1xi32, #tpu.memory_space<hbm>>
      tpu.wait_dma2 semaphore(%run_scoped3A : memref<!tpu.dma_semaphore, #tpu.memory_space<semaphore_mem>>) src(%dma_wait3A_309 : memref<32x1xi32, #tpu.memory_space<hbm>>) dst(%arg16 : memref<32x1xi32, #tpu.memory_space<vmem>>)
      tpu.yield
    }) : () -> ()
    %iota3A = tpu.iota {dimensions = array<i32: 0>} : vector<16xi32>
    %shift_right_arithmetic3A = arith.constant 2 : i32
    %shift_right_arithmetic3A_5 = vector.broadcast %shift_right_arithmetic3A : i32 to vector<16xi32>
    %shift_right_arithmetic3A_6 = arith.shrsi %iota3A, %shift_right_arithmetic3A_5 : vector<16xi32>
    %and3A = arith.constant 3 : i32
    %and3A_7 = vector.broadcast %and3A : i32 to vector<16xi32>
    %and3A_8 = arith.andi %iota3A, %and3A_7 : vector<16xi32>
    %broadcast_in_dim3A = arith.constant 0 : i32
    %broadcast_in_dim3A_9 = vector.broadcast %broadcast_in_dim3A : i32 to vector<16xi32>
    %add3A_10 = arith.constant 0 : i32
    %add3A_11 = vector.broadcast %add3A_10 : i32 to vector<16xi32>
    %add3A_12 = arith.addi %broadcast_in_dim3A_9, %add3A_11 : vector<16xi32>
    %scan3A = arith.constant 0 : i32
    %scan3A_13 = arith.constant 100 : i32
    %scan3A_14 = arith.addi %scan3A, %scan3A_13 : i32
    %scan3A_15 = arith.constant 1 : i32
    %scan3A_16:2 = scf.for %scan3A_302 = %scan3A to %scan3A_14 step %scan3A_15 iter_args(%scan3A_303 = %add3A_12, %scan3A_304 = %iota3A) -> (vector<16xi32>, vector<16xi32>)  : i32 {
      %gather3A_305 = tpu.vector_load_idx %arg7[%scan3A_303, %scan3A_304] : memref<32x200xi32, #tpu.memory_space<vmem>>[vector<16xi32>, vector<16xi32>], vector<16xi32>,
      %mul3A_306 = arith.constant 4 : i32
      %mul3A_307 = vector.broadcast %mul3A_306 : i32 to vector<16xi32>
      %mul3A_308 = arith.muli %gather3A_305, %mul3A_307 : vector<16xi32>
      %mul3A_309 = arith.constant 16 : i32
      %mul3A_310 = arith.muli %scan3A_302, %mul3A_309 : i32
      %swap3A_311 = arith.index_cast %mul3A_310 : i32 to index
      %swap3A_312 = tpu.vector_load %arg8[%swap3A_311] {strides = array<i32>} : memref<6400xi32, #tpu.memory_space<vmem>>, vector<16xi32>,
      tpu.vector_store %arg8[%swap3A_311], %mul3A_308 {strides = array<i32>} : memref<6400xi32, #tpu.memory_space<vmem>>, vector<16xi32>,
      %add3A_313 = arith.constant 1 : i32
      %add3A_314 = vector.broadcast %add3A_313 : i32 to vector<16xi32>
      %add3A_315 = arith.addi %mul3A_308, %add3A_314 : vector<16xi32>
      %add3A_316 = arith.constant 1600 : i32
      %add3A_317 = arith.addi %add3A_316, %mul3A_310 : i32
      %swap3A_318 = arith.index_cast %add3A_317 : i32 to index
      %swap3A_319 = tpu.vector_load %arg8[%swap3A_318] {strides = array<i32>} : memref<6400xi32, #tpu.memory_space<vmem>>, vector<16xi32>,
      tpu.vector_store %arg8[%swap3A_318], %add3A_315 {strides = array<i32>} : memref<6400xi32, #tpu.memory_space<vmem>>, vector<16xi32>,
      %add3A_320 = arith.constant 2 : i32
      %add3A_321 = vector.broadcast %add3A_320 : i32 to vector<16xi32>
      %add3A_322 = arith.addi %mul3A_308, %add3A_321 : vector<16xi32>
      %add3A_323 = arith.constant 3200 : i32
      %add3A_324 = arith.addi %add3A_323, %mul3A_310 : i32
      %swap3A_325 = arith.index_cast %add3A_324 : i32 to index
      %swap3A_326 = tpu.vector_load %arg8[%swap3A_325] {strides = array<i32>} : memref<6400xi32, #tpu.memory_space<vmem>>, vector<16xi32>,
      tpu.vector_store %arg8[%swap3A_325], %add3A_322 {strides = array<i32>} : memref<6400xi32, #tpu.memory_space<vmem>>, vector<16xi32>,
      %add3A_327 = arith.constant 3 : i32
      %add3A_328 = vector.broadcast %add3A_327 : i32 to vector<16xi32>
      %add3A_329 = arith.addi %mul3A_308, %add3A_328 : vector<16xi32>
      %add3A_330 = arith.constant 4800 : i32
      %add3A_331 = arith.addi %add3A_330, %mul3A_310 : i32
      %swap3A_332 = arith.index_cast %add3A_331 : i32 to index
      %swap3A_333 = tpu.vector_load %arg8[%swap3A_332] {strides = array<i32>} : memref<6400xi32, #tpu.memory_space<vmem>>, vector<16xi32>,
      tpu.vector_store %arg8[%swap3A_332], %add3A_329 {strides = array<i32>} : memref<6400xi32, #tpu.memory_space<vmem>>, vector<16xi32>,
      %add3A_334 = arith.constant 16 : i32
      %add3A_335 = vector.broadcast %add3A_334 : i32 to vector<16xi32>
      %add3A_336 = arith.addi %scan3A_304, %add3A_335 : vector<16xi32>
      %ge3A = arith.constant 200 : i32
      %ge3A_337 = vector.broadcast %ge3A : i32 to vector<16xi32>
      %ge3A_338 = arith.cmpi sge, %add3A_336, %ge3A_337 : vector<16xi32>
      %sub3A = arith.constant 200 : i32
      %sub3A_339 = vector.broadcast %sub3A : i32 to vector<16xi32>
      %sub3A_340 = arith.subi %add3A_336, %sub3A_339 : vector<16xi32>
      %select_n3A = arith.select %ge3A_338, %sub3A_340, %add3A_336 : vector<16xi1>, vector<16xi32>
      %convert_element_type3A = arith.extui %ge3A_338 : vector<16xi1> to vector<16xi32>
      %add3A_341 = arith.addi %scan3A_303, %convert_element_type3A : vector<16xi32>
      scf.yield %add3A_341, %select_n3A : vector<16xi32>, vector<16xi32>
    }
    %scan3A_17 = arith.constant 100 : i32
    %dma_start3A = arith.constant 0 : i32
    %dma_start3A_18 = tpu.memref_slice %arg2[%dma_start3A] : memref<400000xf32, #tpu.memory_space<hbm>> -> memref<400000xf32, #tpu.memory_space<hbm>>
    tpu.enqueue_indirect_dma source(%dma_start3A_18 : memref<400000xf32, #tpu.memory_space<hbm>>) target(%arg12 : memref<6400xf32, #tpu.memory_space<vmem>>) offsets(%arg8 : memref<6400xi32, #tpu.memory_space<vmem>>) semaphore(%arg20 : memref<!tpu.dma_semaphore, #tpu.memory_space<semaphore_mem>>)
    %add3A_19 = arith.constant 8 : i32
    %add3A_20 = vector.broadcast %add3A_19 : i32 to vector<16xi32>
    %add3A_21 = arith.addi %broadcast_in_dim3A_9, %add3A_20 : vector<16xi32>
    %scan3A_22 = arith.constant 0 : i32
    %scan3A_23 = arith.constant 100 : i32
    %scan3A_24 = arith.addi %scan3A_22, %scan3A_23 : i32
    %scan3A_25 = arith.constant 1 : i32
    %scan3A_26:2 = scf.for %scan3A_302 = %scan3A_22 to %scan3A_24 step %scan3A_25 iter_args(%scan3A_303 = %add3A_21, %scan3A_304 = %iota3A) -> (vector<16xi32>, vector<16xi32>)  : i32 {
      %gather3A_305 = tpu.vector_load_idx %arg7[%scan3A_303, %scan3A_304] : memref<32x200xi32, #tpu.memory_space<vmem>>[vector<16xi32>, vector<16xi32>], vector<16xi32>,
      %mul3A_306 = arith.constant 4 : i32
      %mul3A_307 = vector.broadcast %mul3A_306 : i32 to vector<16xi32>
      %mul3A_308 = arith.muli %gather3A_305, %mul3A_307 : vector<16xi32>
      %mul3A_309 = arith.constant 16 : i32
      %mul3A_310 = arith.muli %scan3A_302, %mul3A_309 : i32
      %swap3A_311 = arith.index_cast %mul3A_310 : i32 to index
      %swap3A_312 = tpu.vector_load %arg9[%swap3A_311] {strides = array<i32>} : memref<6400xi32, #tpu.memory_space<vmem>>, vector<16xi32>,
      tpu.vector_store %arg9[%swap3A_311], %mul3A_308 {strides = array<i32>} : memref<6400xi32, #tpu.memory_space<vmem>>, vector<16xi32>,
      %add3A_313 = arith.constant 1 : i32
      %add3A_314 = vector.broadcast %add3A_313 : i32 to vector<16xi32>
      %add3A_315 = arith.addi %mul3A_308, %add3A_314 : vector<16xi32>
      %add3A_316 = arith.constant 1600 : i32
      %add3A_317 = arith.addi %add3A_316, %mul3A_310 : i32
      %swap3A_318 = arith.index_cast %add3A_317 : i32 to index
      %swap3A_319 = tpu.vector_load %arg9[%swap3A_318] {strides = array<i32>} : memref<6400xi32, #tpu.memory_space<vmem>>, vector<16xi32>,
      tpu.vector_store %arg9[%swap3A_318], %add3A_315 {strides = array<i32>} : memref<6400xi32, #tpu.memory_space<vmem>>, vector<16xi32>,
      %add3A_320 = arith.constant 2 : i32
      %add3A_321 = vector.broadcast %add3A_320 : i32 to vector<16xi32>
      %add3A_322 = arith.addi %mul3A_308, %add3A_321 : vector<16xi32>
      %add3A_323 = arith.constant 3200 : i32
      %add3A_324 = arith.addi %add3A_323, %mul3A_310 : i32
      %swap3A_325 = arith.index_cast %add3A_324 : i32 to index
      %swap3A_326 = tpu.vector_load %arg9[%swap3A_325] {strides = array<i32>} : memref<6400xi32, #tpu.memory_space<vmem>>, vector<16xi32>,
      tpu.vector_store %arg9[%swap3A_325], %add3A_322 {strides = array<i32>} : memref<6400xi32, #tpu.memory_space<vmem>>, vector<16xi32>,
      %add3A_327 = arith.constant 3 : i32
      %add3A_328 = vector.broadcast %add3A_327 : i32 to vector<16xi32>
      %add3A_329 = arith.addi %mul3A_308, %add3A_328 : vector<16xi32>
      %add3A_330 = arith.constant 4800 : i32
      %add3A_331 = arith.addi %add3A_330, %mul3A_310 : i32
      %swap3A_332 = arith.index_cast %add3A_331 : i32 to index
      %swap3A_333 = tpu.vector_load %arg9[%swap3A_332] {strides = array<i32>} : memref<6400xi32, #tpu.memory_space<vmem>>, vector<16xi32>,
      tpu.vector_store %arg9[%swap3A_332], %add3A_329 {strides = array<i32>} : memref<6400xi32, #tpu.memory_space<vmem>>, vector<16xi32>,
      %add3A_334 = arith.constant 16 : i32
      %add3A_335 = vector.broadcast %add3A_334 : i32 to vector<16xi32>
      %add3A_336 = arith.addi %scan3A_304, %add3A_335 : vector<16xi32>
      %ge3A = arith.constant 200 : i32
      %ge3A_337 = vector.broadcast %ge3A : i32 to vector<16xi32>
      %ge3A_338 = arith.cmpi sge, %add3A_336, %ge3A_337 : vector<16xi32>
      %sub3A = arith.constant 200 : i32
      %sub3A_339 = vector.broadcast %sub3A : i32 to vector<16xi32>
      %sub3A_340 = arith.subi %add3A_336, %sub3A_339 : vector<16xi32>
      %select_n3A = arith.select %ge3A_338, %sub3A_340, %add3A_336 : vector<16xi1>, vector<16xi32>
      %convert_element_type3A = arith.extui %ge3A_338 : vector<16xi1> to vector<16xi32>
      %add3A_341 = arith.addi %scan3A_303, %convert_element_type3A : vector<16xi32>
      scf.yield %add3A_341, %select_n3A : vector<16xi32>, vector<16xi32>
    }
    %scan3A_27 = arith.constant 100 : i32
    %dma_start3A_28 = arith.constant 0 : i32
    %dma_start3A_29 = tpu.memref_slice %arg2[%dma_start3A_28] : memref<400000xf32, #tpu.memory_space<hbm>> -> memref<400000xf32, #tpu.memory_space<hbm>>
    tpu.enqueue_indirect_dma source(%dma_start3A_29 : memref<400000xf32, #tpu.memory_space<hbm>>) target(%arg13 : memref<6400xf32, #tpu.memory_space<vmem>>) offsets(%arg9 : memref<6400xi32, #tpu.memory_space<vmem>>) semaphore(%arg21 : memref<!tpu.dma_semaphore, #tpu.memory_space<semaphore_mem>>)
    %add3A_30 = arith.constant 16 : i32
    %add3A_31 = vector.broadcast %add3A_30 : i32 to vector<16xi32>
    %add3A_32 = arith.addi %broadcast_in_dim3A_9, %add3A_31 : vector<16xi32>
    %scan3A_33 = arith.constant 0 : i32
    %scan3A_34 = arith.constant 100 : i32
    %scan3A_35 = arith.addi %scan3A_33, %scan3A_34 : i32
    %scan3A_36 = arith.constant 1 : i32
    %scan3A_37:2 = scf.for %scan3A_302 = %scan3A_33 to %scan3A_35 step %scan3A_36 iter_args(%scan3A_303 = %add3A_32, %scan3A_304 = %iota3A) -> (vector<16xi32>, vector<16xi32>)  : i32 {
      %gather3A_305 = tpu.vector_load_idx %arg7[%scan3A_303, %scan3A_304] : memref<32x200xi32, #tpu.memory_space<vmem>>[vector<16xi32>, vector<16xi32>], vector<16xi32>,
      %mul3A_306 = arith.constant 4 : i32
      %mul3A_307 = vector.broadcast %mul3A_306 : i32 to vector<16xi32>
      %mul3A_308 = arith.muli %gather3A_305, %mul3A_307 : vector<16xi32>
      %mul3A_309 = arith.constant 16 : i32
      %mul3A_310 = arith.muli %scan3A_302, %mul3A_309 : i32
      %swap3A_311 = arith.index_cast %mul3A_310 : i32 to index
      %swap3A_312 = tpu.vector_load %arg10[%swap3A_311] {strides = array<i32>} : memref<6400xi32, #tpu.memory_space<vmem>>, vector<16xi32>,
      tpu.vector_store %arg10[%swap3A_311], %mul3A_308 {strides = array<i32>} : memref<6400xi32, #tpu.memory_space<vmem>>, vector<16xi32>,
      %add3A_313 = arith.constant 1 : i32
      %add3A_314 = vector.broadcast %add3A_313 : i32 to vector<16xi32>
      %add3A_315 = arith.addi %mul3A_308, %add3A_314 : vector<16xi32>
      %add3A_316 = arith.constant 1600 : i32
      %add3A_317 = arith.addi %add3A_316, %mul3A_310 : i32
      %swap3A_318 = arith.index_cast %add3A_317 : i32 to index
      %swap3A_319 = tpu.vector_load %arg10[%swap3A_318] {strides = array<i32>} : memref<6400xi32, #tpu.memory_space<vmem>>, vector<16xi32>,
      tpu.vector_store %arg10[%swap3A_318], %add3A_315 {strides = array<i32>} : memref<6400xi32, #tpu.memory_space<vmem>>, vector<16xi32>,
      %add3A_320 = arith.constant 2 : i32
      %add3A_321 = vector.broadcast %add3A_320 : i32 to vector<16xi32>
      %add3A_322 = arith.addi %mul3A_308, %add3A_321 : vector<16xi32>
      %add3A_323 = arith.constant 3200 : i32
      %add3A_324 = arith.addi %add3A_323, %mul3A_310 : i32
      %swap3A_325 = arith.index_cast %add3A_324 : i32 to index
      %swap3A_326 = tpu.vector_load %arg10[%swap3A_325] {strides = array<i32>} : memref<6400xi32, #tpu.memory_space<vmem>>, vector<16xi32>,
      tpu.vector_store %arg10[%swap3A_325], %add3A_322 {strides = array<i32>} : memref<6400xi32, #tpu.memory_space<vmem>>, vector<16xi32>,
      %add3A_327 = arith.constant 3 : i32
      %add3A_328 = vector.broadcast %add3A_327 : i32 to vector<16xi32>
      %add3A_329 = arith.addi %mul3A_308, %add3A_328 : vector<16xi32>
      %add3A_330 = arith.constant 4800 : i32
      %add3A_331 = arith.addi %add3A_330, %mul3A_310 : i32
      %swap3A_332 = arith.index_cast %add3A_331 : i32 to index
      %swap3A_333 = tpu.vector_load %arg10[%swap3A_332] {strides = array<i32>} : memref<6400xi32, #tpu.memory_space<vmem>>, vector<16xi32>,
      tpu.vector_store %arg10[%swap3A_332], %add3A_329 {strides = array<i32>} : memref<6400xi32, #tpu.memory_space<vmem>>, vector<16xi32>,
      %add3A_334 = arith.constant 16 : i32
      %add3A_335 = vector.broadcast %add3A_334 : i32 to vector<16xi32>
      %add3A_336 = arith.addi %scan3A_304, %add3A_335 : vector<16xi32>
      %ge3A = arith.constant 200 : i32
      %ge3A_337 = vector.broadcast %ge3A : i32 to vector<16xi32>
      %ge3A_338 = arith.cmpi sge, %add3A_336, %ge3A_337 : vector<16xi32>
      %sub3A = arith.constant 200 : i32
      %sub3A_339 = vector.broadcast %sub3A : i32 to vector<16xi32>
      %sub3A_340 = arith.subi %add3A_336, %sub3A_339 : vector<16xi32>
      %select_n3A = arith.select %ge3A_338, %sub3A_340, %add3A_336 : vector<16xi1>, vector<16xi32>
      %convert_element_type3A = arith.extui %ge3A_338 : vector<16xi1> to vector<16xi32>
      %add3A_341 = arith.addi %scan3A_303, %convert_element_type3A : vector<16xi32>
      scf.yield %add3A_341, %select_n3A : vector<16xi32>, vector<16xi32>
    }
    %scan3A_38 = arith.constant 100 : i32
    %dma_start3A_39 = arith.constant 0 : i32
    %dma_start3A_40 = tpu.memref_slice %arg2[%dma_start3A_39] : memref<400000xf32, #tpu.memory_space<hbm>> -> memref<400000xf32, #tpu.memory_space<hbm>>
    tpu.enqueue_indirect_dma source(%dma_start3A_40 : memref<400000xf32, #tpu.memory_space<hbm>>) target(%arg14 : memref<6400xf32, #tpu.memory_space<vmem>>) offsets(%arg10 : memref<6400xi32, #tpu.memory_space<vmem>>) semaphore(%arg22 : memref<!tpu.dma_semaphore, #tpu.memory_space<semaphore_mem>>)
    %add3A_41 = arith.constant 24 : i32
    %add3A_42 = vector.broadcast %add3A_41 : i32 to vector<16xi32>
    %add3A_43 = arith.addi %broadcast_in_dim3A_9, %add3A_42 : vector<16xi32>
    %scan3A_44 = arith.constant 0 : i32
    %scan3A_45 = arith.constant 100 : i32
    %scan3A_46 = arith.addi %scan3A_44, %scan3A_45 : i32
    %scan3A_47 = arith.constant 1 : i32
    %scan3A_48:2 = scf.for %scan3A_302 = %scan3A_44 to %scan3A_46 step %scan3A_47 iter_args(%scan3A_303 = %add3A_43, %scan3A_304 = %iota3A) -> (vector<16xi32>, vector<16xi32>)  : i32 {
      %gather3A_305 = tpu.vector_load_idx %arg7[%scan3A_303, %scan3A_304] : memref<32x200xi32, #tpu.memory_space<vmem>>[vector<16xi32>, vector<16xi32>], vector<16xi32>,
      %mul3A_306 = arith.constant 4 : i32
      %mul3A_307 = vector.broadcast %mul3A_306 : i32 to vector<16xi32>
      %mul3A_308 = arith.muli %gather3A_305, %mul3A_307 : vector<16xi32>
      %mul3A_309 = arith.constant 16 : i32
      %mul3A_310 = arith.muli %scan3A_302, %mul3A_309 : i32
      %swap3A_311 = arith.index_cast %mul3A_310 : i32 to index
      %swap3A_312 = tpu.vector_load %arg11[%swap3A_311] {strides = array<i32>} : memref<6400xi32, #tpu.memory_space<vmem>>, vector<16xi32>,
      tpu.vector_store %arg11[%swap3A_311], %mul3A_308 {strides = array<i32>} : memref<6400xi32, #tpu.memory_space<vmem>>, vector<16xi32>,
      %add3A_313 = arith.constant 1 : i32
      %add3A_314 = vector.broadcast %add3A_313 : i32 to vector<16xi32>
      %add3A_315 = arith.addi %mul3A_308, %add3A_314 : vector<16xi32>
      %add3A_316 = arith.constant 1600 : i32
      %add3A_317 = arith.addi %add3A_316, %mul3A_310 : i32
      %swap3A_318 = arith.index_cast %add3A_317 : i32 to index
      %swap3A_319 = tpu.vector_load %arg11[%swap3A_318] {strides = array<i32>} : memref<6400xi32, #tpu.memory_space<vmem>>, vector<16xi32>,
      tpu.vector_store %arg11[%swap3A_318], %add3A_315 {strides = array<i32>} : memref<6400xi32, #tpu.memory_space<vmem>>, vector<16xi32>,
      %add3A_320 = arith.constant 2 : i32
      %add3A_321 = vector.broadcast %add3A_320 : i32 to vector<16xi32>
      %add3A_322 = arith.addi %mul3A_308, %add3A_321 : vector<16xi32>
      %add3A_323 = arith.constant 3200 : i32
      %add3A_324 = arith.addi %add3A_323, %mul3A_310 : i32
      %swap3A_325 = arith.index_cast %add3A_324 : i32 to index
      %swap3A_326 = tpu.vector_load %arg11[%swap3A_325] {strides = array<i32>} : memref<6400xi32, #tpu.memory_space<vmem>>, vector<16xi32>,
      tpu.vector_store %arg11[%swap3A_325], %add3A_322 {strides = array<i32>} : memref<6400xi32, #tpu.memory_space<vmem>>, vector<16xi32>,
      %add3A_327 = arith.constant 3 : i32
      %add3A_328 = vector.broadcast %add3A_327 : i32 to vector<16xi32>
      %add3A_329 = arith.addi %mul3A_308, %add3A_328 : vector<16xi32>
      %add3A_330 = arith.constant 4800 : i32
      %add3A_331 = arith.addi %add3A_330, %mul3A_310 : i32
      %swap3A_332 = arith.index_cast %add3A_331 : i32 to index
      %swap3A_333 = tpu.vector_load %arg11[%swap3A_332] {strides = array<i32>} : memref<6400xi32, #tpu.memory_space<vmem>>, vector<16xi32>,
      tpu.vector_store %arg11[%swap3A_332], %add3A_329 {strides = array<i32>} : memref<6400xi32, #tpu.memory_space<vmem>>, vector<16xi32>,
      %add3A_334 = arith.constant 16 : i32
      %add3A_335 = vector.broadcast %add3A_334 : i32 to vector<16xi32>
      %add3A_336 = arith.addi %scan3A_304, %add3A_335 : vector<16xi32>
      %ge3A = arith.constant 200 : i32
      %ge3A_337 = vector.broadcast %ge3A : i32 to vector<16xi32>
      %ge3A_338 = arith.cmpi sge, %add3A_336, %ge3A_337 : vector<16xi32>
      %sub3A = arith.constant 200 : i32
      %sub3A_339 = vector.broadcast %sub3A : i32 to vector<16xi32>
      %sub3A_340 = arith.subi %add3A_336, %sub3A_339 : vector<16xi32>
      %select_n3A = arith.select %ge3A_338, %sub3A_340, %add3A_336 : vector<16xi1>, vector<16xi32>
      %convert_element_type3A = arith.extui %ge3A_338 : vector<16xi1> to vector<16xi32>
      %add3A_341 = arith.addi %scan3A_303, %convert_element_type3A : vector<16xi32>
      scf.yield %add3A_341, %select_n3A : vector<16xi32>, vector<16xi32>
    }
    %scan3A_49 = arith.constant 100 : i32
    %dma_start3A_50 = arith.constant 0 : i32
    %dma_start3A_51 = tpu.memref_slice %arg2[%dma_start3A_50] : memref<400000xf32, #tpu.memory_space<hbm>> -> memref<400000xf32, #tpu.memory_space<hbm>>
    tpu.enqueue_indirect_dma source(%dma_start3A_51 : memref<400000xf32, #tpu.memory_space<hbm>>) target(%arg15 : memref<6400xf32, #tpu.memory_space<vmem>>) offsets(%arg11 : memref<6400xi32, #tpu.memory_space<vmem>>) semaphore(%arg23 : memref<!tpu.dma_semaphore, #tpu.memory_space<semaphore_mem>>)
    %add3A_52 = arith.constant 0 : i32
    %add3A_53 = vector.broadcast %add3A_52 : i32 to vector<16xi32>
    %add3A_54 = arith.addi %add3A_53, %shift_right_arithmetic3A_6 : vector<16xi32>
    %gather3A = tpu.vector_load_idx %arg16[%add3A_54, %broadcast_in_dim3A_9] : memref<32x1xi32, #tpu.memory_space<vmem>>[vector<16xi32>, vector<16xi32>], vector<16xi32>,
    %mul3A_55 = arith.constant 4 : i32
    %mul3A_56 = vector.broadcast %mul3A_55 : i32 to vector<16xi32>
    %mul3A_57 = arith.muli %gather3A, %mul3A_56 : vector<16xi32>
    %add3A_58 = arith.addi %mul3A_57, %and3A_8 : vector<16xi32>
    %swap3A = arith.constant 0 : index
    %swap3A_59 = tpu.vector_load %arg17[%swap3A] {strides = array<i32>} : memref<128xi32, #tpu.memory_space<vmem>>, vector<16xi32>,
    tpu.vector_store %arg17[%swap3A], %add3A_58 {strides = array<i32>} : memref<128xi32, #tpu.memory_space<vmem>>, vector<16xi32>,
    %add3A_60 = arith.constant 4 : i32
    %add3A_61 = vector.broadcast %add3A_60 : i32 to vector<16xi32>
    %add3A_62 = arith.addi %add3A_61, %shift_right_arithmetic3A_6 : vector<16xi32>
    %gather3A_63 = tpu.vector_load_idx %arg16[%add3A_62, %broadcast_in_dim3A_9] : memref<32x1xi32, #tpu.memory_space<vmem>>[vector<16xi32>, vector<16xi32>], vector<16xi32>,
    %mul3A_64 = arith.constant 4 : i32
    %mul3A_65 = vector.broadcast %mul3A_64 : i32 to vector<16xi32>
    %mul3A_66 = arith.muli %gather3A_63, %mul3A_65 : vector<16xi32>
    %add3A_67 = arith.addi %mul3A_66, %and3A_8 : vector<16xi32>
    %swap3A_68 = arith.constant 16 : index
    %swap3A_69 = tpu.vector_load %arg17[%swap3A_68] {strides = array<i32>} : memref<128xi32, #tpu.memory_space<vmem>>, vector<16xi32>,
    tpu.vector_store %arg17[%swap3A_68], %add3A_67 {strides = array<i32>} : memref<128xi32, #tpu.memory_space<vmem>>, vector<16xi32>,
    %add3A_70 = arith.constant 8 : i32
    %add3A_71 = vector.broadcast %add3A_70 : i32 to vector<16xi32>
    %add3A_72 = arith.addi %add3A_71, %shift_right_arithmetic3A_6 : vector<16xi32>
    %gather3A_73 = tpu.vector_load_idx %arg16[%add3A_72, %broadcast_in_dim3A_9] : memref<32x1xi32, #tpu.memory_space<vmem>>[vector<16xi32>, vector<16xi32>], vector<16xi32>,
    %mul3A_74 = arith.constant 4 : i32
    %mul3A_75 = vector.broadcast %mul3A_74 : i32 to vector<16xi32>
    %mul3A_76 = arith.muli %gather3A_73, %mul3A_75 : vector<16xi32>
    %add3A_77 = arith.addi %mul3A_76, %and3A_8 : vector<16xi32>
    %swap3A_78 = arith.constant 32 : index
    %swap3A_79 = tpu.vector_load %arg17[%swap3A_78] {strides = array<i32>} : memref<128xi32, #tpu.memory_space<vmem>>, vector<16xi32>,
    tpu.vector_store %arg17[%swap3A_78], %add3A_77 {strides = array<i32>} : memref<128xi32, #tpu.memory_space<vmem>>, vector<16xi32>,
    %add3A_80 = arith.constant 12 : i32
    %add3A_81 = vector.broadcast %add3A_80 : i32 to vector<16xi32>
    %add3A_82 = arith.addi %add3A_81, %shift_right_arithmetic3A_6 : vector<16xi32>
    %gather3A_83 = tpu.vector_load_idx %arg16[%add3A_82, %broadcast_in_dim3A_9] : memref<32x1xi32, #tpu.memory_space<vmem>>[vector<16xi32>, vector<16xi32>], vector<16xi32>,
    %mul3A_84 = arith.constant 4 : i32
    %mul3A_85 = vector.broadcast %mul3A_84 : i32 to vector<16xi32>
    %mul3A_86 = arith.muli %gather3A_83, %mul3A_85 : vector<16xi32>
    %add3A_87 = arith.addi %mul3A_86, %and3A_8 : vector<16xi32>
    %swap3A_88 = arith.constant 48 : index
    %swap3A_89 = tpu.vector_load %arg17[%swap3A_88] {strides = array<i32>} : memref<128xi32, #tpu.memory_space<vmem>>, vector<16xi32>,
    tpu.vector_store %arg17[%swap3A_88], %add3A_87 {strides = array<i32>} : memref<128xi32, #tpu.memory_space<vmem>>, vector<16xi32>,
    %add3A_90 = arith.constant 16 : i32
    %add3A_91 = vector.broadcast %add3A_90 : i32 to vector<16xi32>
    %add3A_92 = arith.addi %add3A_91, %shift_right_arithmetic3A_6 : vector<16xi32>
    %gather3A_93 = tpu.vector_load_idx %arg16[%add3A_92, %broadcast_in_dim3A_9] : memref<32x1xi32, #tpu.memory_space<vmem>>[vector<16xi32>, vector<16xi32>], vector<16xi32>,
    %mul3A_94 = arith.constant 4 : i32
    %mul3A_95 = vector.broadcast %mul3A_94 : i32 to vector<16xi32>
    %mul3A_96 = arith.muli %gather3A_93, %mul3A_95 : vector<16xi32>
    %add3A_97 = arith.addi %mul3A_96, %and3A_8 : vector<16xi32>
    %swap3A_98 = arith.constant 64 : index
    %swap3A_99 = tpu.vector_load %arg17[%swap3A_98] {strides = array<i32>} : memref<128xi32, #tpu.memory_space<vmem>>, vector<16xi32>,
    tpu.vector_store %arg17[%swap3A_98], %add3A_97 {strides = array<i32>} : memref<128xi32, #tpu.memory_space<vmem>>, vector<16xi32>,
    %add3A_100 = arith.constant 20 : i32
    %add3A_101 = vector.broadcast %add3A_100 : i32 to vector<16xi32>
    %add3A_102 = arith.addi %add3A_101, %shift_right_arithmetic3A_6 : vector<16xi32>
    %gather3A_103 = tpu.vector_load_idx %arg16[%add3A_102, %broadcast_in_dim3A_9] : memref<32x1xi32, #tpu.memory_space<vmem>>[vector<16xi32>, vector<16xi32>], vector<16xi32>,
    %mul3A_104 = arith.constant 4 : i32
    %mul3A_105 = vector.broadcast %mul3A_104 : i32 to vector<16xi32>
    %mul3A_106 = arith.muli %gather3A_103, %mul3A_105 : vector<16xi32>
    %add3A_107 = arith.addi %mul3A_106, %and3A_8 : vector<16xi32>
    %swap3A_108 = arith.constant 80 : index
    %swap3A_109 = tpu.vector_load %arg17[%swap3A_108] {strides = array<i32>} : memref<128xi32, #tpu.memory_space<vmem>>, vector<16xi32>,
    tpu.vector_store %arg17[%swap3A_108], %add3A_107 {strides = array<i32>} : memref<128xi32, #tpu.memory_space<vmem>>, vector<16xi32>,
    %add3A_110 = arith.constant 24 : i32
    %add3A_111 = vector.broadcast %add3A_110 : i32 to vector<16xi32>
    %add3A_112 = arith.addi %add3A_111, %shift_right_arithmetic3A_6 : vector<16xi32>
    %gather3A_113 = tpu.vector_load_idx %arg16[%add3A_112, %broadcast_in_dim3A_9] : memref<32x1xi32, #tpu.memory_space<vmem>>[vector<16xi32>, vector<16xi32>], vector<16xi32>,
    %mul3A_114 = arith.constant 4 : i32
    %mul3A_115 = vector.broadcast %mul3A_114 : i32 to vector<16xi32>
    %mul3A_116 = arith.muli %gather3A_113, %mul3A_115 : vector<16xi32>
    %add3A_117 = arith.addi %mul3A_116, %and3A_8 : vector<16xi32>
    %swap3A_118 = arith.constant 96 : index
    %swap3A_119 = tpu.vector_load %arg17[%swap3A_118] {strides = array<i32>} : memref<128xi32, #tpu.memory_space<vmem>>, vector<16xi32>,
    tpu.vector_store %arg17[%swap3A_118], %add3A_117 {strides = array<i32>} : memref<128xi32, #tpu.memory_space<vmem>>, vector<16xi32>,
    %add3A_120 = arith.constant 28 : i32
    %add3A_121 = vector.broadcast %add3A_120 : i32 to vector<16xi32>
    %add3A_122 = arith.addi %add3A_121, %shift_right_arithmetic3A_6 : vector<16xi32>
    %gather3A_123 = tpu.vector_load_idx %arg16[%add3A_122, %broadcast_in_dim3A_9] : memref<32x1xi32, #tpu.memory_space<vmem>>[vector<16xi32>, vector<16xi32>], vector<16xi32>,
    %mul3A_124 = arith.constant 4 : i32
    %mul3A_125 = vector.broadcast %mul3A_124 : i32 to vector<16xi32>
    %mul3A_126 = arith.muli %gather3A_123, %mul3A_125 : vector<16xi32>
    %add3A_127 = arith.addi %mul3A_126, %and3A_8 : vector<16xi32>
    %swap3A_128 = arith.constant 112 : index
    %swap3A_129 = tpu.vector_load %arg17[%swap3A_128] {strides = array<i32>} : memref<128xi32, #tpu.memory_space<vmem>>, vector<16xi32>,
    tpu.vector_store %arg17[%swap3A_128], %add3A_127 {strides = array<i32>} : memref<128xi32, #tpu.memory_space<vmem>>, vector<16xi32>,
    %dma_start3A_130 = arith.constant 0 : i32
    %dma_start3A_131 = tpu.memref_slice %arg4[%dma_start3A_130] : memref<4000xf32, #tpu.memory_space<hbm>> -> memref<4000xf32, #tpu.memory_space<hbm>>
    tpu.enqueue_indirect_dma source(%dma_start3A_131 : memref<4000xf32, #tpu.memory_space<hbm>>) target(%arg18 : memref<128xf32, #tpu.memory_space<vmem>>) offsets(%arg17 : memref<128xi32, #tpu.memory_space<vmem>>) semaphore(%arg24 : memref<!tpu.dma_semaphore, #tpu.memory_space<semaphore_mem>>)
    %dma_wait3A = arith.constant 0 : i32
    %dma_wait3A_132 = tpu.memref_slice %arg4[%dma_wait3A] : memref<4000xf32, #tpu.memory_space<hbm>> -> memref<4000xf32, #tpu.memory_space<hbm>>
    tpu.wait_indirect_dma semaphore(%arg24 : memref<!tpu.dma_semaphore, #tpu.memory_space<semaphore_mem>>) src(%dma_wait3A_132 : memref<4000xf32, #tpu.memory_space<hbm>>) dst(%arg18 : memref<128xf32, #tpu.memory_space<vmem>>)
    %dma_wait3A_133 = arith.constant 0 : i32
    %dma_wait3A_134 = tpu.memref_slice %arg2[%dma_wait3A_133] : memref<400000xf32, #tpu.memory_space<hbm>> -> memref<400000xf32, #tpu.memory_space<hbm>>
    tpu.wait_indirect_dma semaphore(%arg20 : memref<!tpu.dma_semaphore, #tpu.memory_space<semaphore_mem>>) src(%dma_wait3A_134 : memref<400000xf32, #tpu.memory_space<hbm>>) dst(%arg12 : memref<6400xf32, #tpu.memory_space<vmem>>)
    %get3A = arith.constant 0 : index
    %get3A_135 = tpu.vector_load %arg18[%get3A] {strides = array<i32>} : memref<128xf32, #tpu.memory_space<vmem>>, vector<16xf32>,
    %mul3A_136 = arith.constant 1600 : i32
    %mul3A_137 = vector.broadcast %mul3A_136 : i32 to vector<16xi32>
    %mul3A_138 = arith.muli %and3A_8, %mul3A_137 : vector<16xi32>
    %add3A_139 = arith.constant 0 : i32
    %add3A_140 = vector.broadcast %add3A_139 : i32 to vector<16xi32>
    %add3A_141 = arith.addi %add3A_140, %shift_right_arithmetic3A_6 : vector<16xi32>
    %mul3A_142 = arith.constant 200 : i32
    %mul3A_143 = vector.broadcast %mul3A_142 : i32 to vector<16xi32>
    %mul3A_144 = arith.muli %add3A_141, %mul3A_143 : vector<16xi32>
    %add3A_145 = arith.addi %mul3A_138, %mul3A_144 : vector<16xi32>
    %scan3A_146 = arith.constant 0 : i32
    %scan3A_147 = arith.constant 50 : i32
    %scan3A_148 = arith.addi %scan3A_146, %scan3A_147 : i32
    %scan3A_149 = arith.constant 1 : i32
    %scan3A_150 = scf.for %scan3A_302 = %scan3A_146 to %scan3A_148 step %scan3A_149 iter_args(%scan3A_303 = %get3A_135) -> (vector<16xf32>)  : i32 {
      %mul3A_304 = arith.constant 4 : i32
      %mul3A_305 = arith.muli %scan3A_302, %mul3A_304 : i32
      %add3A_306 = vector.broadcast %mul3A_305 : i32 to vector<16xi32>
      %add3A_307 = arith.addi %add3A_145, %add3A_306 : vector<16xi32>
      %gather3A_308 = tpu.vector_load_idx %arg12[%add3A_307] : memref<6400xf32, #tpu.memory_space<vmem>>[vector<16xi32>], vector<16xf32>,
      %add3A_309 = arith.constant 1 : i32
      %add3A_310 = arith.addi %mul3A_305, %add3A_309 : i32
      %add3A_311 = vector.broadcast %add3A_310 : i32 to vector<16xi32>
      %add3A_312 = arith.addi %add3A_145, %add3A_311 : vector<16xi32>
      %gather3A_313 = tpu.vector_load_idx %arg12[%add3A_312] : memref<6400xf32, #tpu.memory_space<vmem>>[vector<16xi32>], vector<16xf32>,
      %add3A_314 = arith.constant 2 : i32
      %add3A_315 = arith.addi %mul3A_305, %add3A_314 : i32
      %add3A_316 = vector.broadcast %add3A_315 : i32 to vector<16xi32>
      %add3A_317 = arith.addi %add3A_145, %add3A_316 : vector<16xi32>
      %gather3A_318 = tpu.vector_load_idx %arg12[%add3A_317] : memref<6400xf32, #tpu.memory_space<vmem>>[vector<16xi32>], vector<16xf32>,
      %add3A_319 = arith.constant 3 : i32
      %add3A_320 = arith.addi %mul3A_305, %add3A_319 : i32
      %add3A_321 = vector.broadcast %add3A_320 : i32 to vector<16xi32>
      %add3A_322 = arith.addi %add3A_145, %add3A_321 : vector<16xi32>
      %gather3A_323 = tpu.vector_load_idx %arg12[%add3A_322] : memref<6400xf32, #tpu.memory_space<vmem>>[vector<16xi32>], vector<16xf32>,
      %add3A_324 = arith.addf %gather3A_308, %gather3A_313 : vector<16xf32>
      %add3A_325 = arith.addf %gather3A_318, %gather3A_323 : vector<16xf32>
      %add3A_326 = arith.addf %add3A_324, %add3A_325 : vector<16xf32>
      %add3A_327 = arith.addf %scan3A_303, %add3A_326 : vector<16xf32>
      scf.yield %add3A_327 : vector<16xf32>
    }
    %scan3A_151 = arith.constant 50 : i32
    %swap3A_152 = arith.constant 0 : index
    %swap3A_153 = tpu.vector_load %arg19[%swap3A_152] {strides = array<i32>} : memref<128xf32, #tpu.memory_space<vmem>>, vector<16xf32>,
    tpu.vector_store %arg19[%swap3A_152], %scan3A_150 {strides = array<i32>} : memref<128xf32, #tpu.memory_space<vmem>>, vector<16xf32>,
    %get3A_154 = arith.constant 16 : index
    %get3A_155 = tpu.vector_load %arg18[%get3A_154] {strides = array<i32>} : memref<128xf32, #tpu.memory_space<vmem>>, vector<16xf32>,
    %mul3A_156 = arith.constant 1600 : i32
    %mul3A_157 = vector.broadcast %mul3A_156 : i32 to vector<16xi32>
    %mul3A_158 = arith.muli %and3A_8, %mul3A_157 : vector<16xi32>
    %add3A_159 = arith.constant 4 : i32
    %add3A_160 = vector.broadcast %add3A_159 : i32 to vector<16xi32>
    %add3A_161 = arith.addi %add3A_160, %shift_right_arithmetic3A_6 : vector<16xi32>
    %mul3A_162 = arith.constant 200 : i32
    %mul3A_163 = vector.broadcast %mul3A_162 : i32 to vector<16xi32>
    %mul3A_164 = arith.muli %add3A_161, %mul3A_163 : vector<16xi32>
    %add3A_165 = arith.addi %mul3A_158, %mul3A_164 : vector<16xi32>
    %scan3A_166 = arith.constant 0 : i32
    %scan3A_167 = arith.constant 50 : i32
    %scan3A_168 = arith.addi %scan3A_166, %scan3A_167 : i32
    %scan3A_169 = arith.constant 1 : i32
    %scan3A_170 = scf.for %scan3A_302 = %scan3A_166 to %scan3A_168 step %scan3A_169 iter_args(%scan3A_303 = %get3A_155) -> (vector<16xf32>)  : i32 {
      %mul3A_304 = arith.constant 4 : i32
      %mul3A_305 = arith.muli %scan3A_302, %mul3A_304 : i32
      %add3A_306 = vector.broadcast %mul3A_305 : i32 to vector<16xi32>
      %add3A_307 = arith.addi %add3A_165, %add3A_306 : vector<16xi32>
      %gather3A_308 = tpu.vector_load_idx %arg12[%add3A_307] : memref<6400xf32, #tpu.memory_space<vmem>>[vector<16xi32>], vector<16xf32>,
      %add3A_309 = arith.constant 1 : i32
      %add3A_310 = arith.addi %mul3A_305, %add3A_309 : i32
      %add3A_311 = vector.broadcast %add3A_310 : i32 to vector<16xi32>
      %add3A_312 = arith.addi %add3A_165, %add3A_311 : vector<16xi32>
      %gather3A_313 = tpu.vector_load_idx %arg12[%add3A_312] : memref<6400xf32, #tpu.memory_space<vmem>>[vector<16xi32>], vector<16xf32>,
      %add3A_314 = arith.constant 2 : i32
      %add3A_315 = arith.addi %mul3A_305, %add3A_314 : i32
      %add3A_316 = vector.broadcast %add3A_315 : i32 to vector<16xi32>
      %add3A_317 = arith.addi %add3A_165, %add3A_316 : vector<16xi32>
      %gather3A_318 = tpu.vector_load_idx %arg12[%add3A_317] : memref<6400xf32, #tpu.memory_space<vmem>>[vector<16xi32>], vector<16xf32>,
      %add3A_319 = arith.constant 3 : i32
      %add3A_320 = arith.addi %mul3A_305, %add3A_319 : i32
      %add3A_321 = vector.broadcast %add3A_320 : i32 to vector<16xi32>
      %add3A_322 = arith.addi %add3A_165, %add3A_321 : vector<16xi32>
      %gather3A_323 = tpu.vector_load_idx %arg12[%add3A_322] : memref<6400xf32, #tpu.memory_space<vmem>>[vector<16xi32>], vector<16xf32>,
      %add3A_324 = arith.addf %gather3A_308, %gather3A_313 : vector<16xf32>
      %add3A_325 = arith.addf %gather3A_318, %gather3A_323 : vector<16xf32>
      %add3A_326 = arith.addf %add3A_324, %add3A_325 : vector<16xf32>
      %add3A_327 = arith.addf %scan3A_303, %add3A_326 : vector<16xf32>
      scf.yield %add3A_327 : vector<16xf32>
    }
    %scan3A_171 = arith.constant 50 : i32
    %swap3A_172 = arith.constant 16 : index
    %swap3A_173 = tpu.vector_load %arg19[%swap3A_172] {strides = array<i32>} : memref<128xf32, #tpu.memory_space<vmem>>, vector<16xf32>,
    tpu.vector_store %arg19[%swap3A_172], %scan3A_170 {strides = array<i32>} : memref<128xf32, #tpu.memory_space<vmem>>, vector<16xf32>,
    %dma_wait3A_174 = arith.constant 0 : i32
    %dma_wait3A_175 = tpu.memref_slice %arg2[%dma_wait3A_174] : memref<400000xf32, #tpu.memory_space<hbm>> -> memref<400000xf32, #tpu.memory_space<hbm>>
    tpu.wait_indirect_dma semaphore(%arg21 : memref<!tpu.dma_semaphore, #tpu.memory_space<semaphore_mem>>) src(%dma_wait3A_175 : memref<400000xf32, #tpu.memory_space<hbm>>) dst(%arg13 : memref<6400xf32, #tpu.memory_space<vmem>>)
    %get3A_176 = arith.constant 32 : index
    %get3A_177 = tpu.vector_load %arg18[%get3A_176] {strides = array<i32>} : memref<128xf32, #tpu.memory_space<vmem>>, vector<16xf32>,
    %mul3A_178 = arith.constant 1600 : i32
    %mul3A_179 = vector.broadcast %mul3A_178 : i32 to vector<16xi32>
    %mul3A_180 = arith.muli %and3A_8, %mul3A_179 : vector<16xi32>
    %add3A_181 = arith.constant 0 : i32
    %add3A_182 = vector.broadcast %add3A_181 : i32 to vector<16xi32>
    %add3A_183 = arith.addi %add3A_182, %shift_right_arithmetic3A_6 : vector<16xi32>
    %mul3A_184 = arith.constant 200 : i32
    %mul3A_185 = vector.broadcast %mul3A_184 : i32 to vector<16xi32>
    %mul3A_186 = arith.muli %add3A_183, %mul3A_185 : vector<16xi32>
    %add3A_187 = arith.addi %mul3A_180, %mul3A_186 : vector<16xi32>
    %scan3A_188 = arith.constant 0 : i32
    %scan3A_189 = arith.constant 50 : i32
    %scan3A_190 = arith.addi %scan3A_188, %scan3A_189 : i32
    %scan3A_191 = arith.constant 1 : i32
    %scan3A_192 = scf.for %scan3A_302 = %scan3A_188 to %scan3A_190 step %scan3A_191 iter_args(%scan3A_303 = %get3A_177) -> (vector<16xf32>)  : i32 {
      %mul3A_304 = arith.constant 4 : i32
      %mul3A_305 = arith.muli %scan3A_302, %mul3A_304 : i32
      %add3A_306 = vector.broadcast %mul3A_305 : i32 to vector<16xi32>
      %add3A_307 = arith.addi %add3A_187, %add3A_306 : vector<16xi32>
      %gather3A_308 = tpu.vector_load_idx %arg13[%add3A_307] : memref<6400xf32, #tpu.memory_space<vmem>>[vector<16xi32>], vector<16xf32>,
      %add3A_309 = arith.constant 1 : i32
      %add3A_310 = arith.addi %mul3A_305, %add3A_309 : i32
      %add3A_311 = vector.broadcast %add3A_310 : i32 to vector<16xi32>
      %add3A_312 = arith.addi %add3A_187, %add3A_311 : vector<16xi32>
      %gather3A_313 = tpu.vector_load_idx %arg13[%add3A_312] : memref<6400xf32, #tpu.memory_space<vmem>>[vector<16xi32>], vector<16xf32>,
      %add3A_314 = arith.constant 2 : i32
      %add3A_315 = arith.addi %mul3A_305, %add3A_314 : i32
      %add3A_316 = vector.broadcast %add3A_315 : i32 to vector<16xi32>
      %add3A_317 = arith.addi %add3A_187, %add3A_316 : vector<16xi32>
      %gather3A_318 = tpu.vector_load_idx %arg13[%add3A_317] : memref<6400xf32, #tpu.memory_space<vmem>>[vector<16xi32>], vector<16xf32>,
      %add3A_319 = arith.constant 3 : i32
      %add3A_320 = arith.addi %mul3A_305, %add3A_319 : i32
      %add3A_321 = vector.broadcast %add3A_320 : i32 to vector<16xi32>
      %add3A_322 = arith.addi %add3A_187, %add3A_321 : vector<16xi32>
      %gather3A_323 = tpu.vector_load_idx %arg13[%add3A_322] : memref<6400xf32, #tpu.memory_space<vmem>>[vector<16xi32>], vector<16xf32>,
      %add3A_324 = arith.addf %gather3A_308, %gather3A_313 : vector<16xf32>
      %add3A_325 = arith.addf %gather3A_318, %gather3A_323 : vector<16xf32>
      %add3A_326 = arith.addf %add3A_324, %add3A_325 : vector<16xf32>
      %add3A_327 = arith.addf %scan3A_303, %add3A_326 : vector<16xf32>
      scf.yield %add3A_327 : vector<16xf32>
    }
    %scan3A_193 = arith.constant 50 : i32
    %swap3A_194 = arith.constant 32 : index
    %swap3A_195 = tpu.vector_load %arg19[%swap3A_194] {strides = array<i32>} : memref<128xf32, #tpu.memory_space<vmem>>, vector<16xf32>,
    tpu.vector_store %arg19[%swap3A_194], %scan3A_192 {strides = array<i32>} : memref<128xf32, #tpu.memory_space<vmem>>, vector<16xf32>,
    %get3A_196 = arith.constant 48 : index
    %get3A_197 = tpu.vector_load %arg18[%get3A_196] {strides = array<i32>} : memref<128xf32, #tpu.memory_space<vmem>>, vector<16xf32>,
    %mul3A_198 = arith.constant 1600 : i32
    %mul3A_199 = vector.broadcast %mul3A_198 : i32 to vector<16xi32>
    %mul3A_200 = arith.muli %and3A_8, %mul3A_199 : vector<16xi32>
    %add3A_201 = arith.constant 4 : i32
    %add3A_202 = vector.broadcast %add3A_201 : i32 to vector<16xi32>
    %add3A_203 = arith.addi %add3A_202, %shift_right_arithmetic3A_6 : vector<16xi32>
    %mul3A_204 = arith.constant 200 : i32
    %mul3A_205 = vector.broadcast %mul3A_204 : i32 to vector<16xi32>
    %mul3A_206 = arith.muli %add3A_203, %mul3A_205 : vector<16xi32>
    %add3A_207 = arith.addi %mul3A_200, %mul3A_206 : vector<16xi32>
    %scan3A_208 = arith.constant 0 : i32
    %scan3A_209 = arith.constant 50 : i32
    %scan3A_210 = arith.addi %scan3A_208, %scan3A_209 : i32
    %scan3A_211 = arith.constant 1 : i32
    %scan3A_212 = scf.for %scan3A_302 = %scan3A_208 to %scan3A_210 step %scan3A_211 iter_args(%scan3A_303 = %get3A_197) -> (vector<16xf32>)  : i32 {
      %mul3A_304 = arith.constant 4 : i32
      %mul3A_305 = arith.muli %scan3A_302, %mul3A_304 : i32
      %add3A_306 = vector.broadcast %mul3A_305 : i32 to vector<16xi32>
      %add3A_307 = arith.addi %add3A_207, %add3A_306 : vector<16xi32>
      %gather3A_308 = tpu.vector_load_idx %arg13[%add3A_307] : memref<6400xf32, #tpu.memory_space<vmem>>[vector<16xi32>], vector<16xf32>,
      %add3A_309 = arith.constant 1 : i32
      %add3A_310 = arith.addi %mul3A_305, %add3A_309 : i32
      %add3A_311 = vector.broadcast %add3A_310 : i32 to vector<16xi32>
      %add3A_312 = arith.addi %add3A_207, %add3A_311 : vector<16xi32>
      %gather3A_313 = tpu.vector_load_idx %arg13[%add3A_312] : memref<6400xf32, #tpu.memory_space<vmem>>[vector<16xi32>], vector<16xf32>,
      %add3A_314 = arith.constant 2 : i32
      %add3A_315 = arith.addi %mul3A_305, %add3A_314 : i32
      %add3A_316 = vector.broadcast %add3A_315 : i32 to vector<16xi32>
      %add3A_317 = arith.addi %add3A_207, %add3A_316 : vector<16xi32>
      %gather3A_318 = tpu.vector_load_idx %arg13[%add3A_317] : memref<6400xf32, #tpu.memory_space<vmem>>[vector<16xi32>], vector<16xf32>,
      %add3A_319 = arith.constant 3 : i32
      %add3A_320 = arith.addi %mul3A_305, %add3A_319 : i32
      %add3A_321 = vector.broadcast %add3A_320 : i32 to vector<16xi32>
      %add3A_322 = arith.addi %add3A_207, %add3A_321 : vector<16xi32>
      %gather3A_323 = tpu.vector_load_idx %arg13[%add3A_322] : memref<6400xf32, #tpu.memory_space<vmem>>[vector<16xi32>], vector<16xf32>,
      %add3A_324 = arith.addf %gather3A_308, %gather3A_313 : vector<16xf32>
      %add3A_325 = arith.addf %gather3A_318, %gather3A_323 : vector<16xf32>
      %add3A_326 = arith.addf %add3A_324, %add3A_325 : vector<16xf32>
      %add3A_327 = arith.addf %scan3A_303, %add3A_326 : vector<16xf32>
      scf.yield %add3A_327 : vector<16xf32>
    }
    %scan3A_213 = arith.constant 50 : i32
    %swap3A_214 = arith.constant 48 : index
    %swap3A_215 = tpu.vector_load %arg19[%swap3A_214] {strides = array<i32>} : memref<128xf32, #tpu.memory_space<vmem>>, vector<16xf32>,
    tpu.vector_store %arg19[%swap3A_214], %scan3A_212 {strides = array<i32>} : memref<128xf32, #tpu.memory_space<vmem>>, vector<16xf32>,
    %dma_wait3A_216 = arith.constant 0 : i32
    %dma_wait3A_217 = tpu.memref_slice %arg2[%dma_wait3A_216] : memref<400000xf32, #tpu.memory_space<hbm>> -> memref<400000xf32, #tpu.memory_space<hbm>>
    tpu.wait_indirect_dma semaphore(%arg22 : memref<!tpu.dma_semaphore, #tpu.memory_space<semaphore_mem>>) src(%dma_wait3A_217 : memref<400000xf32, #tpu.memory_space<hbm>>) dst(%arg14 : memref<6400xf32, #tpu.memory_space<vmem>>)
    %get3A_218 = arith.constant 64 : index
    %get3A_219 = tpu.vector_load %arg18[%get3A_218] {strides = array<i32>} : memref<128xf32, #tpu.memory_space<vmem>>, vector<16xf32>,
    %mul3A_220 = arith.constant 1600 : i32
    %mul3A_221 = vector.broadcast %mul3A_220 : i32 to vector<16xi32>
    %mul3A_222 = arith.muli %and3A_8, %mul3A_221 : vector<16xi32>
    %add3A_223 = arith.constant 0 : i32
    %add3A_224 = vector.broadcast %add3A_223 : i32 to vector<16xi32>
    %add3A_225 = arith.addi %add3A_224, %shift_right_arithmetic3A_6 : vector<16xi32>
    %mul3A_226 = arith.constant 200 : i32
    %mul3A_227 = vector.broadcast %mul3A_226 : i32 to vector<16xi32>
    %mul3A_228 = arith.muli %add3A_225, %mul3A_227 : vector<16xi32>
    %add3A_229 = arith.addi %mul3A_222, %mul3A_228 : vector<16xi32>
    %scan3A_230 = arith.constant 0 : i32
    %scan3A_231 = arith.constant 50 : i32
    %scan3A_232 = arith.addi %scan3A_230, %scan3A_231 : i32
    %scan3A_233 = arith.constant 1 : i32
    %scan3A_234 = scf.for %scan3A_302 = %scan3A_230 to %scan3A_232 step %scan3A_233 iter_args(%scan3A_303 = %get3A_219) -> (vector<16xf32>)  : i32 {
      %mul3A_304 = arith.constant 4 : i32
      %mul3A_305 = arith.muli %scan3A_302, %mul3A_304 : i32
      %add3A_306 = vector.broadcast %mul3A_305 : i32 to vector<16xi32>
      %add3A_307 = arith.addi %add3A_229, %add3A_306 : vector<16xi32>
      %gather3A_308 = tpu.vector_load_idx %arg14[%add3A_307] : memref<6400xf32, #tpu.memory_space<vmem>>[vector<16xi32>], vector<16xf32>,
      %add3A_309 = arith.constant 1 : i32
      %add3A_310 = arith.addi %mul3A_305, %add3A_309 : i32
      %add3A_311 = vector.broadcast %add3A_310 : i32 to vector<16xi32>
      %add3A_312 = arith.addi %add3A_229, %add3A_311 : vector<16xi32>
      %gather3A_313 = tpu.vector_load_idx %arg14[%add3A_312] : memref<6400xf32, #tpu.memory_space<vmem>>[vector<16xi32>], vector<16xf32>,
      %add3A_314 = arith.constant 2 : i32
      %add3A_315 = arith.addi %mul3A_305, %add3A_314 : i32
      %add3A_316 = vector.broadcast %add3A_315 : i32 to vector<16xi32>
      %add3A_317 = arith.addi %add3A_229, %add3A_316 : vector<16xi32>
      %gather3A_318 = tpu.vector_load_idx %arg14[%add3A_317] : memref<6400xf32, #tpu.memory_space<vmem>>[vector<16xi32>], vector<16xf32>,
      %add3A_319 = arith.constant 3 : i32
      %add3A_320 = arith.addi %mul3A_305, %add3A_319 : i32
      %add3A_321 = vector.broadcast %add3A_320 : i32 to vector<16xi32>
      %add3A_322 = arith.addi %add3A_229, %add3A_321 : vector<16xi32>
      %gather3A_323 = tpu.vector_load_idx %arg14[%add3A_322] : memref<6400xf32, #tpu.memory_space<vmem>>[vector<16xi32>], vector<16xf32>,
      %add3A_324 = arith.addf %gather3A_308, %gather3A_313 : vector<16xf32>
      %add3A_325 = arith.addf %gather3A_318, %gather3A_323 : vector<16xf32>
      %add3A_326 = arith.addf %add3A_324, %add3A_325 : vector<16xf32>
      %add3A_327 = arith.addf %scan3A_303, %add3A_326 : vector<16xf32>
      scf.yield %add3A_327 : vector<16xf32>
    }
    %scan3A_235 = arith.constant 50 : i32
    %swap3A_236 = arith.constant 64 : index
    %swap3A_237 = tpu.vector_load %arg19[%swap3A_236] {strides = array<i32>} : memref<128xf32, #tpu.memory_space<vmem>>, vector<16xf32>,
    tpu.vector_store %arg19[%swap3A_236], %scan3A_234 {strides = array<i32>} : memref<128xf32, #tpu.memory_space<vmem>>, vector<16xf32>,
    %get3A_238 = arith.constant 80 : index
    %get3A_239 = tpu.vector_load %arg18[%get3A_238] {strides = array<i32>} : memref<128xf32, #tpu.memory_space<vmem>>, vector<16xf32>,
    %mul3A_240 = arith.constant 1600 : i32
    %mul3A_241 = vector.broadcast %mul3A_240 : i32 to vector<16xi32>
    %mul3A_242 = arith.muli %and3A_8, %mul3A_241 : vector<16xi32>
    %add3A_243 = arith.constant 4 : i32
    %add3A_244 = vector.broadcast %add3A_243 : i32 to vector<16xi32>
    %add3A_245 = arith.addi %add3A_244, %shift_right_arithmetic3A_6 : vector<16xi32>
    %mul3A_246 = arith.constant 200 : i32
    %mul3A_247 = vector.broadcast %mul3A_246 : i32 to vector<16xi32>
    %mul3A_248 = arith.muli %add3A_245, %mul3A_247 : vector<16xi32>
    %add3A_249 = arith.addi %mul3A_242, %mul3A_248 : vector<16xi32>
    %scan3A_250 = arith.constant 0 : i32
    %scan3A_251 = arith.constant 50 : i32
    %scan3A_252 = arith.addi %scan3A_250, %scan3A_251 : i32
    %scan3A_253 = arith.constant 1 : i32
    %scan3A_254 = scf.for %scan3A_302 = %scan3A_250 to %scan3A_252 step %scan3A_253 iter_args(%scan3A_303 = %get3A_239) -> (vector<16xf32>)  : i32 {
      %mul3A_304 = arith.constant 4 : i32
      %mul3A_305 = arith.muli %scan3A_302, %mul3A_304 : i32
      %add3A_306 = vector.broadcast %mul3A_305 : i32 to vector<16xi32>
      %add3A_307 = arith.addi %add3A_249, %add3A_306 : vector<16xi32>
      %gather3A_308 = tpu.vector_load_idx %arg14[%add3A_307] : memref<6400xf32, #tpu.memory_space<vmem>>[vector<16xi32>], vector<16xf32>,
      %add3A_309 = arith.constant 1 : i32
      %add3A_310 = arith.addi %mul3A_305, %add3A_309 : i32
      %add3A_311 = vector.broadcast %add3A_310 : i32 to vector<16xi32>
      %add3A_312 = arith.addi %add3A_249, %add3A_311 : vector<16xi32>
      %gather3A_313 = tpu.vector_load_idx %arg14[%add3A_312] : memref<6400xf32, #tpu.memory_space<vmem>>[vector<16xi32>], vector<16xf32>,
      %add3A_314 = arith.constant 2 : i32
      %add3A_315 = arith.addi %mul3A_305, %add3A_314 : i32
      %add3A_316 = vector.broadcast %add3A_315 : i32 to vector<16xi32>
      %add3A_317 = arith.addi %add3A_249, %add3A_316 : vector<16xi32>
      %gather3A_318 = tpu.vector_load_idx %arg14[%add3A_317] : memref<6400xf32, #tpu.memory_space<vmem>>[vector<16xi32>], vector<16xf32>,
      %add3A_319 = arith.constant 3 : i32
      %add3A_320 = arith.addi %mul3A_305, %add3A_319 : i32
      %add3A_321 = vector.broadcast %add3A_320 : i32 to vector<16xi32>
      %add3A_322 = arith.addi %add3A_249, %add3A_321 : vector<16xi32>
      %gather3A_323 = tpu.vector_load_idx %arg14[%add3A_322] : memref<6400xf32, #tpu.memory_space<vmem>>[vector<16xi32>], vector<16xf32>,
      %add3A_324 = arith.addf %gather3A_308, %gather3A_313 : vector<16xf32>
      %add3A_325 = arith.addf %gather3A_318, %gather3A_323 : vector<16xf32>
      %add3A_326 = arith.addf %add3A_324, %add3A_325 : vector<16xf32>
      %add3A_327 = arith.addf %scan3A_303, %add3A_326 : vector<16xf32>
      scf.yield %add3A_327 : vector<16xf32>
    }
    %scan3A_255 = arith.constant 50 : i32
    %swap3A_256 = arith.constant 80 : index
    %swap3A_257 = tpu.vector_load %arg19[%swap3A_256] {strides = array<i32>} : memref<128xf32, #tpu.memory_space<vmem>>, vector<16xf32>,
    tpu.vector_store %arg19[%swap3A_256], %scan3A_254 {strides = array<i32>} : memref<128xf32, #tpu.memory_space<vmem>>, vector<16xf32>,
    %dma_wait3A_258 = arith.constant 0 : i32
    %dma_wait3A_259 = tpu.memref_slice %arg2[%dma_wait3A_258] : memref<400000xf32, #tpu.memory_space<hbm>> -> memref<400000xf32, #tpu.memory_space<hbm>>
    tpu.wait_indirect_dma semaphore(%arg23 : memref<!tpu.dma_semaphore, #tpu.memory_space<semaphore_mem>>) src(%dma_wait3A_259 : memref<400000xf32, #tpu.memory_space<hbm>>) dst(%arg15 : memref<6400xf32, #tpu.memory_space<vmem>>)
    %get3A_260 = arith.constant 96 : index
    %get3A_261 = tpu.vector_load %arg18[%get3A_260] {strides = array<i32>} : memref<128xf32, #tpu.memory_space<vmem>>, vector<16xf32>,
    %mul3A_262 = arith.constant 1600 : i32
    %mul3A_263 = vector.broadcast %mul3A_262 : i32 to vector<16xi32>
    %mul3A_264 = arith.muli %and3A_8, %mul3A_263 : vector<16xi32>
    %add3A_265 = arith.constant 0 : i32
    %add3A_266 = vector.broadcast %add3A_265 : i32 to vector<16xi32>
    %add3A_267 = arith.addi %add3A_266, %shift_right_arithmetic3A_6 : vector<16xi32>
    %mul3A_268 = arith.constant 200 : i32
    %mul3A_269 = vector.broadcast %mul3A_268 : i32 to vector<16xi32>
    %mul3A_270 = arith.muli %add3A_267, %mul3A_269 : vector<16xi32>
    %add3A_271 = arith.addi %mul3A_264, %mul3A_270 : vector<16xi32>
    %scan3A_272 = arith.constant 0 : i32
    %scan3A_273 = arith.constant 50 : i32
    %scan3A_274 = arith.addi %scan3A_272, %scan3A_273 : i32
    %scan3A_275 = arith.constant 1 : i32
    %scan3A_276 = scf.for %scan3A_302 = %scan3A_272 to %scan3A_274 step %scan3A_275 iter_args(%scan3A_303 = %get3A_261) -> (vector<16xf32>)  : i32 {
      %mul3A_304 = arith.constant 4 : i32
      %mul3A_305 = arith.muli %scan3A_302, %mul3A_304 : i32
      %add3A_306 = vector.broadcast %mul3A_305 : i32 to vector<16xi32>
      %add3A_307 = arith.addi %add3A_271, %add3A_306 : vector<16xi32>
      %gather3A_308 = tpu.vector_load_idx %arg15[%add3A_307] : memref<6400xf32, #tpu.memory_space<vmem>>[vector<16xi32>], vector<16xf32>,
      %add3A_309 = arith.constant 1 : i32
      %add3A_310 = arith.addi %mul3A_305, %add3A_309 : i32
      %add3A_311 = vector.broadcast %add3A_310 : i32 to vector<16xi32>
      %add3A_312 = arith.addi %add3A_271, %add3A_311 : vector<16xi32>
      %gather3A_313 = tpu.vector_load_idx %arg15[%add3A_312] : memref<6400xf32, #tpu.memory_space<vmem>>[vector<16xi32>], vector<16xf32>,
      %add3A_314 = arith.constant 2 : i32
      %add3A_315 = arith.addi %mul3A_305, %add3A_314 : i32
      %add3A_316 = vector.broadcast %add3A_315 : i32 to vector<16xi32>
      %add3A_317 = arith.addi %add3A_271, %add3A_316 : vector<16xi32>
      %gather3A_318 = tpu.vector_load_idx %arg15[%add3A_317] : memref<6400xf32, #tpu.memory_space<vmem>>[vector<16xi32>], vector<16xf32>,
      %add3A_319 = arith.constant 3 : i32
      %add3A_320 = arith.addi %mul3A_305, %add3A_319 : i32
      %add3A_321 = vector.broadcast %add3A_320 : i32 to vector<16xi32>
      %add3A_322 = arith.addi %add3A_271, %add3A_321 : vector<16xi32>
      %gather3A_323 = tpu.vector_load_idx %arg15[%add3A_322] : memref<6400xf32, #tpu.memory_space<vmem>>[vector<16xi32>], vector<16xf32>,
      %add3A_324 = arith.addf %gather3A_308, %gather3A_313 : vector<16xf32>
      %add3A_325 = arith.addf %gather3A_318, %gather3A_323 : vector<16xf32>
      %add3A_326 = arith.addf %add3A_324, %add3A_325 : vector<16xf32>
      %add3A_327 = arith.addf %scan3A_303, %add3A_326 : vector<16xf32>
      scf.yield %add3A_327 : vector<16xf32>
    }
    %scan3A_277 = arith.constant 50 : i32
    %swap3A_278 = arith.constant 96 : index
    %swap3A_279 = tpu.vector_load %arg19[%swap3A_278] {strides = array<i32>} : memref<128xf32, #tpu.memory_space<vmem>>, vector<16xf32>,
    tpu.vector_store %arg19[%swap3A_278], %scan3A_276 {strides = array<i32>} : memref<128xf32, #tpu.memory_space<vmem>>, vector<16xf32>,
    %get3A_280 = arith.constant 112 : index
    %get3A_281 = tpu.vector_load %arg18[%get3A_280] {strides = array<i32>} : memref<128xf32, #tpu.memory_space<vmem>>, vector<16xf32>,
    %mul3A_282 = arith.constant 1600 : i32
    %mul3A_283 = vector.broadcast %mul3A_282 : i32 to vector<16xi32>
    %mul3A_284 = arith.muli %and3A_8, %mul3A_283 : vector<16xi32>
    %add3A_285 = arith.constant 4 : i32
    %add3A_286 = vector.broadcast %add3A_285 : i32 to vector<16xi32>
    %add3A_287 = arith.addi %add3A_286, %shift_right_arithmetic3A_6 : vector<16xi32>
    %mul3A_288 = arith.constant 200 : i32
    %mul3A_289 = vector.broadcast %mul3A_288 : i32 to vector<16xi32>
    %mul3A_290 = arith.muli %add3A_287, %mul3A_289 : vector<16xi32>
    %add3A_291 = arith.addi %mul3A_284, %mul3A_290 : vector<16xi32>
    %scan3A_292 = arith.constant 0 : i32
    %scan3A_293 = arith.constant 50 : i32
    %scan3A_294 = arith.addi %scan3A_292, %scan3A_293 : i32
    %scan3A_295 = arith.constant 1 : i32
    %scan3A_296 = scf.for %scan3A_302 = %scan3A_292 to %scan3A_294 step %scan3A_295 iter_args(%scan3A_303 = %get3A_281) -> (vector<16xf32>)  : i32 {
      %mul3A_304 = arith.constant 4 : i32
      %mul3A_305 = arith.muli %scan3A_302, %mul3A_304 : i32
      %add3A_306 = vector.broadcast %mul3A_305 : i32 to vector<16xi32>
      %add3A_307 = arith.addi %add3A_291, %add3A_306 : vector<16xi32>
      %gather3A_308 = tpu.vector_load_idx %arg15[%add3A_307] : memref<6400xf32, #tpu.memory_space<vmem>>[vector<16xi32>], vector<16xf32>,
      %add3A_309 = arith.constant 1 : i32
      %add3A_310 = arith.addi %mul3A_305, %add3A_309 : i32
      %add3A_311 = vector.broadcast %add3A_310 : i32 to vector<16xi32>
      %add3A_312 = arith.addi %add3A_291, %add3A_311 : vector<16xi32>
      %gather3A_313 = tpu.vector_load_idx %arg15[%add3A_312] : memref<6400xf32, #tpu.memory_space<vmem>>[vector<16xi32>], vector<16xf32>,
      %add3A_314 = arith.constant 2 : i32
      %add3A_315 = arith.addi %mul3A_305, %add3A_314 : i32
      %add3A_316 = vector.broadcast %add3A_315 : i32 to vector<16xi32>
      %add3A_317 = arith.addi %add3A_291, %add3A_316 : vector<16xi32>
      %gather3A_318 = tpu.vector_load_idx %arg15[%add3A_317] : memref<6400xf32, #tpu.memory_space<vmem>>[vector<16xi32>], vector<16xf32>,
      %add3A_319 = arith.constant 3 : i32
      %add3A_320 = arith.addi %mul3A_305, %add3A_319 : i32
      %add3A_321 = vector.broadcast %add3A_320 : i32 to vector<16xi32>
      %add3A_322 = arith.addi %add3A_291, %add3A_321 : vector<16xi32>
      %gather3A_323 = tpu.vector_load_idx %arg15[%add3A_322] : memref<6400xf32, #tpu.memory_space<vmem>>[vector<16xi32>], vector<16xf32>,
      %add3A_324 = arith.addf %gather3A_308, %gather3A_313 : vector<16xf32>
      %add3A_325 = arith.addf %gather3A_318, %gather3A_323 : vector<16xf32>
      %add3A_326 = arith.addf %add3A_324, %add3A_325 : vector<16xf32>
      %add3A_327 = arith.addf %scan3A_303, %add3A_326 : vector<16xf32>
      scf.yield %add3A_327 : vector<16xf32>
    }
    %scan3A_297 = arith.constant 50 : i32
    %swap3A_298 = arith.constant 112 : index
    %swap3A_299 = tpu.vector_load %arg19[%swap3A_298] {strides = array<i32>} : memref<128xf32, #tpu.memory_space<vmem>>, vector<16xf32>,
    tpu.vector_store %arg19[%swap3A_298], %scan3A_296 {strides = array<i32>} : memref<128xf32, #tpu.memory_space<vmem>>, vector<16xf32>,
    %mul3A_300 = arith.constant 128 : i32
    %mul3A_301 = arith.muli %add3A, %mul3A_300 : i32
    "tpu.region"() ({
      %run_scoped3A = tpu.sem_alloc : memref<!tpu.dma_semaphore, #tpu.memory_space<semaphore_mem>>
      %dma_start3A_302 = tpu.memref_slice %arg6[%mul3A_301] : memref<4096xf32, #tpu.memory_space<hbm>> -> memref<128xf32, #tpu.memory_space<hbm>>
      %dma_start3A_303 = tpu.memref_slice %arg6[%mul3A_301] : memref<4096xf32, #tpu.memory_space<hbm>> -> memref<128xf32, #tpu.memory_space<hbm>>
      tpu.enqueue_dma source(%arg19 : memref<128xf32, #tpu.memory_space<vmem>>) target(%dma_start3A_303 : memref<128xf32, #tpu.memory_space<hbm>>) target_semaphore(%run_scoped3A : memref<!tpu.dma_semaphore, #tpu.memory_space<semaphore_mem>>)
      %dma_wait3A_304 = tpu.memref_slice %arg6[%mul3A_301] : memref<4096xf32, #tpu.memory_space<hbm>> -> memref<128xf32, #tpu.memory_space<hbm>>
      %dma_wait3A_305 = tpu.memref_slice %arg6[%mul3A_301] : memref<4096xf32, #tpu.memory_space<hbm>> -> memref<128xf32, #tpu.memory_space<hbm>>
      tpu.wait_dma2 semaphore(%run_scoped3A : memref<!tpu.dma_semaphore, #tpu.memory_space<semaphore_mem>>) src(%arg19 : memref<128xf32, #tpu.memory_space<vmem>>) dst(%dma_wait3A_305 : memref<128xf32, #tpu.memory_space<hbm>>)
      tpu.yield
    }) : () -> ()
    return
  }
}

module attributes {stable_mosaic.version = 14 : i64} {
  func.func @_tc_linear_body(%arg0: i32, %arg1: memref<16x4xf32, #tpu.memory_space<vmem>>, %arg2: memref<4x100000xf32, #tpu.memory_space<vmem>>, %arg3: memref<1x100000xf32, #tpu.memory_space<vmem>>, %arg4: memref<16x100000xf32, #tpu.memory_space<vmem>>) attributes {dimension_semantics = [#tpu.dimension_semantics<arbitrary>], iteration_bounds = array<i64: 64>, scalar_prefetch = 0 : i64, scratch_operands = 0 : i64, tpu.core_type = #tpu.core_type<tc>, window_params = [{transform_indices = @transform_0, window_bounds = array<i64: 16, 4>}, {pipeline_mode = #tpu.pipeline_mode<synchronous>, transform_indices = @transform_1, window_bounds = array<i64: 4, 100000>}, {pipeline_mode = #tpu.pipeline_mode<synchronous>, transform_indices = @transform_2, window_bounds = array<i64: 1, 100000>}, {transform_indices = @transform_3, window_bounds = array<i64: 16, 100000>}]} {
    %get3A = arith.constant 0 : index
    %get3A_0 = arith.constant 0 : index
    %get3A_1 = vector.load %arg1[%get3A, %get3A_0] : memref<16x4xf32, #tpu.memory_space<vmem>>, vector<16x4xf32>
    %get3A_2 = arith.constant 0 : index
    %get3A_3 = arith.constant 0 : index
    %get3A_4 = vector.load %arg2[%get3A_2, %get3A_3] : memref<4x100000xf32, #tpu.memory_space<vmem>>, vector<4x100000xf32>
    %dot_general3A = arith.constant dense<0.000000e+00> : vector<16x100000xf32>
    %dot_general3A_5 = tpu.matmul %get3A_1, %get3A_4, %dot_general3A {dimension_numbers = #tpu.dot_dimension_numbers<[1], [0], [0], [1], [0, 0, 1, 1], [], []>, transpose_lhs_hint = false} : vector<16x4xf32>, vector<4x100000xf32>, vector<16x100000xf32> -> vector<16x100000xf32>
    %get3A_6 = arith.constant 0 : index
    %get3A_7 = arith.constant 0 : index
    %get3A_8 = vector.load %arg3[%get3A_6, %get3A_7] : memref<1x100000xf32, #tpu.memory_space<vmem>>, vector<1x100000xf32>
    %add3A = vector.broadcast %get3A_8 : vector<1x100000xf32> to vector<16x100000xf32>
    %add3A_9 = arith.addf %dot_general3A_5, %add3A : vector<16x100000xf32>
    %swap3A = arith.constant 0 : index
    %swap3A_10 = arith.constant 0 : index
    %swap3A_11 = vector.load %arg4[%swap3A, %swap3A_10] : memref<16x100000xf32, #tpu.memory_space<vmem>>, vector<16x100000xf32>
    tpu.vector_store %arg4[%swap3A, %swap3A_10], %add3A_9 {strides = array<i32>} : memref<16x100000xf32, #tpu.memory_space<vmem>>, vector<16x100000xf32>,
    return
  }
  func.func @transform_0(%arg0: i32) -> (i32, i32) {
    %c0_i32 = arith.constant 0 : i32
    %c0_i32_0 = arith.constant 0 : i32
    return %arg0, %c0_i32 : i32, i32
  }
  func.func @transform_1(%arg0: i32) -> (i32, i32) {
    %c0_i32 = arith.constant 0 : i32
    %c0_i32_0 = arith.constant 0 : i32
    %c0_i32_1 = arith.constant 0 : i32
    return %c0_i32, %c0_i32_0 : i32, i32
  }
  func.func @transform_2(%arg0: i32) -> (i32, i32) {
    %c0_i32 = arith.constant 0 : i32
    %c0_i32_0 = arith.constant 0 : i32
    %c0_i32_1 = arith.constant 0 : i32
    return %c0_i32, %c0_i32_0 : i32, i32
  }
  func.func @transform_3(%arg0: i32) -> (i32, i32) {
    %c0_i32 = arith.constant 0 : i32
    %c0_i32_0 = arith.constant 0 : i32
    return %arg0, %c0_i32 : i32, i32
  }
}

</mosaic_0001>

<sc_bundles>
// kernel: kernel.4.cloned.1.call-start
scs
__scs_entry_jumppad:
0x0: {  	(pc) =	sbr.rel $0x88, $3  }
0x1: {  	(tag) =	ssettag $0x0;
	lr =	simm.s32 $0x1  }
0x2: {  	[smem:$0x3F9B] =	sst lr;
	_ =	strace $0xD0000000  }
0x3: {  	_ = 	snop  }
0x4: {  	_ = 	snop  }
0x5: {  	_ = 	snop  }
0x6: {  	_ = 	snop  }
0x7: {  	_ = 	snop  }
__scs_overlays_trampoline_lowered:
0x8: {  	[smem:$0x3FAA] =	sst s0  }
0x9: {  	[smem:$0x3FAB] =	sst s1  }
0xa: {  	[smem:$0x3FAC] =	sst s2  }
0xb: {  	[smem:$0x3FAD] =	sst s3  }
0xc: {  	[smem:$0x3FAE] =	sst s4  }
0xd: {  	[smem:$0x3FAF] =	sst s5  }
0xe: {  	[smem:$0x3FB0] =	sst s6  }
0xf: {  	[smem:$0x3FB1] =	sst s7  }
0x10: {  	[smem:$0x3FB2] =	sst s8  }
0x11: {  	[smem:$0x3FB3] =	sst s9;
	s0 =	simm.s32 @!p0 $0x0  }
0x12: {  	s1 =	sld [smem:$0x3F99];
	s0 =	simm.s32 @p0 $0x1  }
0x13: {  	[smem:$0x3FB4] =	sst s0;
	s0 =	simm.s32 @!p1 $0x0  }
0x14: {  	s2 =	sld [smem:$0x3F98];
	s0 =	simm.s32 @p1 $0x1  }
0x15: {  	[smem:$0x3FB5] =	sst s0;
	s0 =	simm.s32 @!p2 $0x0  }
0x16: {  	s3 =	sld [smem:$0x3FDB];
	s0 =	simm.s32 @p2 $0x1  }
0x17: {  	s4 =	simm.s32 $0x1BF5;
	[smem:$0x3FB7] =	sst s0  }
0x18: {  	s0 =	sld [smem:$0x3F9A];
	_ =	swait.ge [sflag:s4], $0x0  }
0x19: {  	s7 =	sld [smem:$0x3F9B]  }
0x1a: {  	s8 =	sadd.s32 $0xFFFFE003, lr  }
0x1b: {  	s9 =	sadd.s32 $0xFFFFFEF7, lr;
	s5 =	simm.s32 $0xFFFFFFFF;
	p2 =	slt.u32 s8, $0xFFFFF086  }
0x1c: {  	p1 =	slt.u32 s9, $0xF7A;
	s5 =	simm.s32 @!p2 $0x0  }
0x1d: {  	s5 =	simm.s32 @p1 $0x1;
	p0 =	seq.s32 s7, s2  }
0x1e: {  	s7 =	smul.u32 @!p0 $0xF7A, s2;
	p2 =	seq.s32 @!p0 s5, $0x0  }
0x1f: {  	s9 =	smul.u32 $0xF7A, s1;
	s8 =	simm.s32 @!p0 $0x1BF5;
	p2 =	por !p2, p0  }
0x20: {  	[sflag:s8] =	ssyncset.s32 @!p0 $0xFFFFF086;
	s6 =	sadd.s32 @!p0 s3, s7;
	s7 =	simm.s32 @!p0 $0x108  }
0x21: {  	s3 =	sadd.s32 s3, s9;
	s6 =	sadd.s32 @!p0 $0x88, s6;
	s7 =	simm.s32 @p2 $0x1082  }
0x22: {  	[simem:s7], [sflag:s8] =	dma.local @!p0 [hbm:s6], $0xF7A  }
0x23: {  	s9 =	sor.u32 $0xD0000000, s2;
	s6 =	simm.s32 $0x108;
	_ =	swait.ge @!p0 [sflag:s8], $0x0  }
0x24: {  	s3 =	sadd.s32 $0x88, s3;
	s6 =	simm.s32 @!p1 $0x1082;
	[sflag:s4] =	ssyncset.s32 $0xFFFFF086  }
0x25: {  	[simem:s6], [sflag:s4] =	dma.local [hbm:s3], $0xF7A  }
0x26: {  	[smem:$0x3F9B] =	sst s1;
	(tag) =	ssettag s2;
	_ =	strace s9  }
0x27: {  	s1 =	sld [smem:$0x3FAB]  }
0x28: {  	s2 =	sld [smem:$0x3FAC]  }
0x29: {  	s4 =	sld [smem:$0x3FAE]  }
0x2a: {  	p0 =	seq.s32 s5, $0x0;
	s5 =	sld [smem:$0x3FAF]  }
0x2b: {  	s6 =	sld [smem:$0x3FB0]  }
0x2c: {  	s7 =	sld [smem:$0x3FB1]  }
0x2d: {  	s3 =	simm.s32 $0x108;
	s8 =	sld [smem:$0x3FB2]  }
0x2e: {  	s3 =	simm.s32 @!p0 $0x1082;
	s9 =	sld [smem:$0x3FB3]  }
0x2f: {  	lr =	sadd.s32 s0, s3;
	s0 =	sld [smem:$0x3FAA]  }
0x30: {  	s3 =	sld [smem:$0x3FAD]  }
0x31: {  	[smem:$0x3FB6] =	sst s10  }
0x32: {  	s10 =	sld [smem:$0x3FB4];
	_ =	sdelay $0x3  }
0x33: {  	p0 =	seq.s32 s10, $0x1;
	s10 =	sld [smem:$0x3FB6];
	_ =	sdelay $0x3  }
0x34: {  	[smem:$0x3FB6] =	sst s10  }
0x35: {  	s10 =	sld [smem:$0x3FB5];
	_ =	sdelay $0x3  }
0x36: {  	p1 =	seq.s32 s10, $0x1;
	s10 =	sld [smem:$0x3FB6];
	_ =	sdelay $0x3  }
0x37: {  	[smem:$0x3FB6] =	sst s10  }
0x38: {  	s10 =	sld [smem:$0x3FB7]  }
0x39: {  	_ = 	snop;
	(pc) =	sbr.ind lr, $3  }
0x3a: {  	_ = 	snop  }
0x3b: {  	_ = 	snop  }
0x3c: {  	p2 =	seq.s32 s10, $0x1;
	s10 =	sld [smem:$0x3FB6]  }
0x3d: {  	_ =	shalt  }
0x3e: {  	_ =	shalt  }
0x3f: {  	_ =	shalt  }
0x40: {  	_ =	shalt  }
0x41: {  	_ =	shalt  }
0x42: {  	_ =	shalt  }
0x43: {  	_ =	shalt  }
0x44: {  	_ =	shalt  }
0x45: {  	_ =	shalt  }
0x46: {  	_ =	shalt  }
0x47: {  	_ =	shalt  }
0x48: {  	_ =	shalt  }
0x49: {  	_ =	shalt  }
0x4a: {  	_ =	shalt  }
0x4b: {  	_ =	shalt  }
0x4c: {  	_ =	shalt  }
0x4d: {  	_ =	shalt  }
0x4e: {  	_ =	shalt  }
0x4f: {  	_ =	shalt  }
0x50: {  	_ =	shalt  }
0x51: {  	_ =	shalt  }
0x52: {  	_ =	shalt  }
0x53: {  	_ =	shalt  }
0x54: {  	_ =	shalt  }
0x55: {  	_ =	shalt  }
0x56: {  	_ =	shalt  }
0x57: {  	_ =	shalt  }
0x58: {  	_ =	shalt  }
0x59: {  	_ =	shalt  }
0x5a: {  	_ =	shalt  }
0x5b: {  	_ =	shalt  }
0x5c: {  	_ =	shalt  }
0x5d: {  	_ =	shalt  }
0x5e: {  	_ =	shalt  }
0x5f: {  	_ =	shalt  }
0x60: {  	_ =	shalt  }
0x61: {  	_ =	shalt  }
0x62: {  	_ =	shalt  }
0x63: {  	_ =	shalt  }
0x64: {  	_ =	shalt  }
0x65: {  	_ =	shalt  }
0x66: {  	_ =	shalt  }
0x67: {  	_ =	shalt  }
0x68: {  	_ =	shalt  }
0x69: {  	_ =	shalt  }
0x6a: {  	_ =	shalt  }
0x6b: {  	_ =	shalt  }
0x6c: {  	_ =	shalt  }
0x6d: {  	_ =	shalt  }
0x6e: {  	_ =	shalt  }
0x6f: {  	_ =	shalt  }
0x70: {  	_ =	shalt  }
0x71: {  	_ =	shalt  }
0x72: {  	_ =	shalt  }
0x73: {  	_ =	shalt  }
0x74: {  	_ =	shalt  }
0x75: {  	_ =	shalt  }
0x76: {  	_ =	shalt  }
0x77: {  	_ =	shalt  }
0x78: {  	_ =	shalt  }
0x79: {  	_ =	shalt  }
0x7a: {  	_ =	shalt  }
0x7b: {  	_ =	shalt  }
0x7c: {  	_ =	shalt  }
0x7d: {  	_ =	shalt  }
0x7e: {  	_ =	shalt  }
0x7f: {  	_ =	shalt  }
0x80: {  	_ =	shalt  }
0x81: {  	_ =	shalt  }
0x82: {  	_ =	shalt  }
0x83: {  	_ =	shalt  }
0x84: {  	_ =	shalt  }
0x85: {  	_ =	shalt  }
0x86: {  	_ =	shalt  }
0x87: {  	_ =	shalt  }
.Lfunc_end0:
.L_simem_size_0:
called_computation_lowered:
.L_overlay_start_0:
0x88: {  	s2 =	sld [smem:$0x3FD9]  }
0x89: {  	s3 =	sld [smem:$0x3FFE];
	_ =	sdelay $0x1  }
0x8a: {  	s1 =	srdreg.scid  }
0x8b: {  	s0 =	sand.u32 $0x1, s1  }
0x8c: {  	s17 =	sshll.u32 s0, $0xA;
	s2 =	sadd.s32 s3, s2  }
0x8d: {  	s2 =	sadd.s32 s2, s17  }
0x8e: {  	[smem:$0x3FC2] =	sst s2  }
0x8f: {  	_ = 	snop  }
0x90: {  	s2 =	sld [smem:$0x3FD0];
	(tm) =	ssettm $0x1  }
0x91: {  	s18 =	sld [smem:$0x3FFB];
	_ =	sdelay $0x3  }
0x92: {  	_ =	strace s18  }
0x93: {  	s3 =	sld [smem:$0x3FFC];
	_ =	sdelay $0x3  }
0x94: {  	_ =	strace s3  }
0x95: {  	s3 =	sld [smem:$0x3FFD];
	_ =	sdelay $0x3  }
0x96: {  	_ =	strace s3  }
0x97: {  	_ =	strace $0x8FFFFFFF  }
0x98: {  	s19 =	sld [smem:$0x3FDB];
	_ =	sdelay $0x1  }
0x99: {  	s4 =	simm.s32 $_scs_section_size  }
0x9a: {  	s5 =	simm.s32 $_size__tile_overlayer_lowered;
	s6 =	simm.s32 $_tile_overlayer_lowered  }
0x9b: {  	s22 =	simm.s32 $0x1BFF;
	s21 =	sshll.u32 s6, $0x1;
	s3 =	sadd.s32 s4, s19  }
0x9c: {  	s7 =	simm.s32 $0x0;
	s20 =	sshll.u32 s5, $0x1;
	s5 =	sadd.s32 s21, s3  }
0x9d: {  	[timem:s7], [sflag:s22] =	dma.local [hbm:s5], s20  }
0x9e: {  	_ =	swait.ge [sflag:s22], s20  }
0x9f: {  	s4 =	ssub.s32 $0x0, s20;
	[sflag:s22] =	ssyncset.done $0x0  }
0xa0: {  	[sflag:s22] =	ssyncadd.s32 s4;
	_ =	sdelay $0x1  }
0xa1: {  	s23 =	simm.s32 $0x1B8B  }
0xa2: {  	_ =	swait.ge [sflag:s23], $0x1  }
0xa3: {  	[sflag:s23] =	ssyncset.done $0x0  }
0xa4: {  	s25 =	simm.s32 $0x1B8E;
	s24 =	sld [smem:$0x3FFE];
	[sflag:s23] =	ssyncadd.s32 $0xFFFFFFFF  }
0xa5: {  	s26 =	simm.s32 $execute0_lowered;
	[smem:$0x3FD2] =	sst s25  }
0xa6: {  	s5 =	sshll.u32 s26, $0x1;
	_ =	strace $0x80000046;
	[dreg:$0x1] =	wrdreg $0xFFFFFFFF  }
0xa7: {  	s28 =	simm.s32 $_size_execute0_lowered;
	s3 =	sadd.s32 s3, s5;
	[dreg:$0x0] =	wrdreg $0x0  }
0xa8: {  	s5 =	sshll.u32 s28, $0x1;
	[dreg:$0x2] =	wrdreg s3  }
0xa9: {  	[dreg:$0x3] =	wrdreg s5  }
0xaa: {  	[dreg:$0x4] =	wrdreg $0xC0  }
0xab: {  	_ =	task [dreg:s7], $0x5FFFF  }
0xac: {  	[dreg:$0x1] =	wrdreg $0xFFFFFFFF  }
0xad: {  	[dreg:$0x0] =	wrdreg $0x60  }
0xae: {  	[dreg:$0x2] =	wrdreg s24  }
0xaf: {  	[dreg:$0x3] =	wrdreg s2  }
0xb0: {  	[dreg:$0x4] =	wrdreg $0x9  }
0xb1: {  	_ =	task.clear_ibuf [dreg:s7], $0x5FFFF;
	_ =	strace $0x90000046  }
0xb2: {  	s29 =	simm.s32 $0x9;
	_ =	strace $0x80000048  }
0xb3: {  	_ =	swait.ge [sflag:s29], $0x1  }
0xb4: {  	[sflag:s29] =	ssyncadd.s32 $0xFFFFFFFF  }
0xb5: {  	_ =	strace $0x90000048  }
0xb6: {  	_ =	sfence  }
0xb7: {  	s30 =	sld [smem:$0x0];
	_ =	sdelay $0x2  }
0xb8: {  	s31 =	sshll.u32 s1, $0xD;
	s1 =	sshrl.u32 s1, $0x2  }
0xb9: {  	s3 =	sand.u32 $0x4000, s31;
	s1 =	sadd.s32 s1, s30  }
0xba: {  	s0 =	sor.u32 s3, s0;
	s1 =	sshll.u32 s1, $0x11  }
0xbb: {  	s0 =	sor.u32 s1, s0  }
0xbc: {  	s0 =	sadd.s32 $0x8F2B, s0  }
0xbd: {  	[sflag:s0] =	ssyncadd.remote.s32 $0x1  }
0xbe: {  	_ =	sfence.sel $0xFFFF  }
0xbf: {  	[dreg:$0x0] =	wrdreg $0xFFFFFFFF;
	(pc) =	sbr.abs _section_cstart, $3  }
0xc0: {  	[dreg:$0x1] =	wrdreg $0xFFFFFFFF  }
0xc1: {  	_ =	task.clear_ibuf [dreg:s7], $0x2FFFF;
	_ =	strace $0x9FFFFFFF  }
0xc2: {  	(tm) =	ssettm $0x7FFFFFFF  }
0xc3: {  	_ =	shalt  }
tec
execute0_lowered:
.L_overlay_start_1:
0x0: {  	(tag) =	ssettag $0x1  }
0x1: {  	v0 =	vlaneseq.u32;
	v2 =	vimm.s32 $0x0  }
0x2: {  	v10 =	vimm.s32 $0x1518;
	vm0 =	vcmask $0x300;
	v11 =	vimm.s32 $0x1838  }
0x3: {  	vm1 =	vcmask $0x704;
	vm15 =	vcmask $0xB08;
	vm4 =	vcmask $0xF0C  }
0x4: {  	vm5 =	vcmask $0x1310;
	vm6 =	vcmask $0x1714;
	vm7 =	vcmask $0x1B18  }
0x5: {  	s0 =	rddreg [dreg:$0x0];
	vm8 =	vcmask $0x1F1C;
	vm9 =	vcmask $0x2320;
	vm10 =	vcmask $0x2724  }
0x6: {  	s7 =	rddreg [dreg:$0x1];
	vm11 =	vcmask $0x2B28;
	v10 =	vsel vm0, $0x0, v10;
	v11 =	vsel vm0, $0x320, v11  }
0x7: {  	s3 =	srdreg.scid;
	s1 =	stileid.u32;
	vm12 =	vcmask $0x2F2C;
	v10 =	vsel vm1, $0x640, v10;
	v11 =	vsel vm1, $0x960, v11  }
0x8: {  	s2 =	simm.s32 $0x0;
	s11 =	simm.s32 $0x1900;
	s12 =	simm.s32 $0x2000;
	vm13 =	vcmask $0x3330;
	v10 =	vsel vm15, $0xC80, v10;
	v11 =	vsel vm15, $0xFA0, v11  }
0x9: {  	s13 =	simm.s32 $0x8400;
	s15 =	simm.s32 $0x9D00;
	s16 =	simm.s32 $0x5200;
	vm14 =	vcmask $0x3734;
	v10 =	vsel vm4, $0x12C0, v10;
	v11 =	vsel vm4, $0x15E0, v11  }
0xa: {  	s17 =	simm.s32 $0xB600;
	s18 =	simm.s32 $0x6B00;
	s19 =	simm.s32 $0xCF00;
	v1 =	vshrl.u32 v0, $0x2;
	v10 =	vsel vm5, $0xC8, v10;
	v11 =	vsel vm5, $0x3E8, v11  }
0xb: {  	s20 =	simm.s32 $0x80;
	s21 =	simm.s32 $0xF800;
	s22 =	simm.s32 $0xF880;
	v3 =	vand.u32 $0x3, v0;
	v10 =	vsel vm6, $0x708, v10;
	v11 =	vsel vm6, $0xA28, v11  }
0xc: {  	s23 =	simm.s32 $0x5;
	s24 =	simm.s32 $0x1;
	s25 =	simm.s32 $0x2;
	v1 =	vmul.u32 $0x80, v1;
	v10 =	vsel vm7, $0xD48, v10;
	v11 =	vsel vm7, $0x1068, v11  }
0xd: {  	s26 =	simm.s32 $0x4;
	s28 =	simm.s32 $0xF900;
	s29 =	simm.s32 $0x0;
	vm15 =	vcmask $0x3B38;
	v10 =	vsel vm8, $0x1388, v10;
	v11 =	vsel vm8, $0x16A8, v11  }
0xe: {  	s4 =	sand.u32 $0x1, s3;
	s30 =	sshll.u32 s1, $0x1;
	[smem:$0x7FF] =	sst s2;
	v4 =	vor.u32 $0x200, v1;
	v10 =	vsel vm9, $0x190, v10;
	v11 =	vsel vm9, $0x4B0, v11  }
0xf: {  	s3 =	sadd.s32 $0xCA00, s0;
	s5 =	sor.u32 s4, s30;
	_ =	strace $0x80000047;
	v5 =	vor.u32 $0x400, v1;
	v10 =	vsel vm10, $0x7D0, v10;
	v11 =	vsel vm10, $0xAF0, v11  }
0x10: {  	s8 =	ssub.s32 $0x2, s4;
	s4 =	sadd.s32 $0x800, s0;
	s6 =	sshll.u32 s5, $0xA;
	v6 =	vor.u32 $0x600, v1;
	v10 =	vsel vm11, $0xE10, v10;
	v11 =	vsel vm11, $0x1130, v11  }
0x11: {  	s9 =	sshll.u32 s5, $0x9;
	s10 =	sshrl.u32 s8, $0x1;
	s31 =	sshll.u32 s5, $0x4;
	v7 =	vor.u32 $0x800, v1;
	v10 =	vsel vm12, $0x1450, v10;
	v11 =	vsel vm12, $0x1770, v11  }
0x12: {  	v8 =	vor.u32 $0xA00, v1;
	s6 =	sadd.s32 s6, s0;
	s0 =	sadd.s32 s9, s0;
	s8 =	ssub.s32 s8, s10;
	v10 =	vsel vm13, $0x258, v10;
	v11 =	vsel vm13, $0x578, v11  }
0x13: {  	v9 =	vor.u32 $0xC00, v1;
	s7 =	sadd.s32 s7, s31;
	s9 =	simm.s32 $0x6;
	s10 =	simm.s32 $0xE800;
	v12 =	vsel vm14, $0x898, v10;
	v13 =	vsel vm14, $0xBB8, v11  }
0x14: {  	s5 =	sadd.s32 $0x4A00, s6;
	s6 =	sadd.s32 $0xA00, s0;
	s8 =	smax.u32 s8, $0x1;
	v10 =	vor.u32 $0xE00, v1;
	v11 =	vsel vm15, $0xED8, v12;
	v12 =	vsel vm15, $0x11F8, v13  }
.LBB2_1:
0x15: {  	v13 =	vshll.u32 v2, $0x8;
	v14 =	vshll.u32 v0, $0x3  }
0x16: {  	[tilespmem:s2], [sflag:$0x6] =	stream.linear.gather [hbm4b:s5+s2], $0x2000, $0x38;
	v15 =	vshll.u32 v2, $0x7;
	v13 =	vand.u32 $0xFFFFF800, v13;
	v14 =	vand.u32 $0xFFFFFC00, v14;
	[tilespmem:$0xF980] =	vst v63  }
0x17: {  	_ =	swait.ge [sflag:s9], $0x2000;
	v13 =	vadd.s32 v13, v14;
	v14 =	vand.u32 $0x380, v15  }
0x18: {  	[sflag:s9] =	ssyncset.done $0x0;
	v15 =	vand.u32 $0x7F, v0;
	v13 =	vor.u32 v14, v13  }
0x19: {  	[sflag:s9] =	ssyncadd.s32 $0xFFFFE000;
	v13 =	vor.u32 v15, v13  }
0x1a: {  	[tilespmem:s10], [sflag:$0x6] =	stream.linear.gather [hbm4b:s6+s2], $0x1000, $0x38;
	[tilespmem:$0xF980] =	vst v63  }
0x1b: {  	_ =	swait.ge [sflag:s9], $0x1000  }
0x1c: {  	[sflag:s9] =	ssyncset.done $0x0  }
0x1d: {  	v14 =	vadd.s32 $0x10, v0;
	[sflag:s9] =	ssyncadd.s32 $0xFFFFF000  }
0x1e: {  	vm0 =	vgt.s32 v14, $0xC7;
	v15 =	vld.idx.msk [tilespmem:v13+s2+$0x0], $0xffff  }
0x1f: {  	v16 =	vadd.s32 $0xFFFFFF48, v0;
	v13 =	vsel vm0, $0x1, v2  }
0x20: {  	v16 =	vsel vm0, v16, v14;
	v13 =	vadd.s32 v13, v2  }
0x21: {  	v18 =	vshll.u32 v16, $0x3;
	v17 =	vshll.u32 v13, $0x8  }
0x22: {  	v18 =	vand.u32 $0xFFFFFC00, v18;
	v19 =	vshll.u32 v13, $0x7;
	v17 =	vand.u32 $0xFFFFF800, v17  }
0x23: {  	v20 =	vshll.u32 v15, $0x2;
	v15 =	vadd.s32 v17, v18;
	v17 =	vand.u32 $0x380, v19  }
0x24: {  	v15 =	vor.u32 v17, v15;
	v17 =	vand.u32 $0x7F, v16  }
0x25: {  	[tilespmem:s12+$0x0] =	vst v20;
	v18 =	vor.u32 $0x1, v20;
	v15 =	vor.u32 v17, v15  }
0x26: {  	s31 =	sand.u32 $0x7F0, s2;
	[tilespmem:s12+$0x640] =	vst v18;
	v18 =	vor.u32 $0x2, v20  }
0x27: {  	s30 =	simm.s32 $0x10;
	s0 =	simm.s32 $0x20;
	v14 =	vadd.s32 $0xFFFFFF48, v16;
	v16 =	vadd.s32 $0x10, v16;
	v17 =	vor.u32 $0x3, v20;
	[tilespmem:s31+$0x2C80] =	vst v18;
	s31 =	simm.s32 $0x2000  }
.LBB2_2:
0x28: {  	p0 =	sne.s32 s0, $0x630  }
0x29: {  	vm0 =	vgt.s32 v16, $0xC7;
	[tilespmem:s31+$0x12C0] =	vst v17;
	s31 =	sadd.s32 $0x10, s31;
	s1 =	smov.u32 s0;
	s0 =	sadd.s32 $0x10, s0  }
0x2a: {  	v17 =	vld.idx.msk [tilespmem:v15+s2+$0x0], $0xffff;
	v16 =	vsel vm0, v14, v16;
	v15 =	vsel vm0, $0x1, v2  }
0x2b: {  	v14 =	vadd.s32 $0xFFFFFF48, v16;
	v13 =	vadd.s32 v15, v13  }
0x2c: {  	v18 =	vshll.u32 v16, $0x3;
	v15 =	vshll.u32 v13, $0x8  }
0x2d: {  	v18 =	vand.u32 $0xFFFFFC00, v18;
	v19 =	vshll.u32 v13, $0x7;
	v15 =	vand.u32 $0xFFFFF800, v15  }
0x2e: {  	v15 =	vadd.s32 v15, v18;
	v18 =	vand.u32 $0x380, v19  }
.Ltmp0:
0x2f: {  	v19 =	vand.u32 $0x7F, v16;
	v15 =	vor.u32 v18, v15;
	(pc) =	sbr.rel @p0 .LBB2_2-.Ltmp0, $4  }
0x30: {  	v17 =	vshll.u32 v17, $0x2;
	v15 =	vor.u32 v19, v15  }
0x31: {  	v18 =	vor.u32 $0x1, v17;
	[tilespmem:s31+$0x0] =	vst v17  }
0x32: {  	s14 =	sand.u32 $0x7F0, s30;
	s30 =	smov.u32 s1;
	[tilespmem:s31+$0x640] =	vst v18;
	v18 =	vor.u32 $0x2, v17  }
0x33: {  	v16 =	vadd.s32 $0x10, v16;
	v17 =	vor.u32 $0x3, v17;
	[tilespmem:s14+$0x2C80] =	vst v18  }
0x34: {  	_ =	sdelay $0x2  }
0x35: {  	[tilespmem:s31+$0x12C0] =	vst v17  }
0x36: {  	v13 =	vld.idx.msk [tilespmem:v15+s2+$0x0], $0xffff  }
0x37: {  	v14 =	vimm.s32 $0x8;
	v15 =	vlaneseq.u32  }
0x38: {  	v16 =	vshll.u32 v14, $0x8;
	v17 =	vshll.u32 v15, $0x3  }
0x39: {  	v18 =	vshll.u32 v14, $0x7;
	v16 =	vand.u32 $0xFFFFF800, v16;
	v17 =	vand.u32 $0xFFFFFC00, v17  }
0x3a: {  	v16 =	vadd.s32 v16, v17;
	v17 =	vand.u32 $0x380, v18  }
0x3b: {  	s0 =	sadd.s32 $0x10, s31;
	v18 =	vand.u32 $0x7F, v15;
	v16 =	vor.u32 v17, v16;
	v13 =	vshll.u32 v13, $0x2  }
0x3c: {  	v16 =	vor.u32 v18, v16;
	[tilespmem:s0+$0x0] =	vst v13;
	v17 =	vor.u32 $0x1, v13  }
0x3d: {  	s1 =	sand.u32 $0x7F0, s30;
	[tilespmem:s0+$0x640] =	vst v17;
	v17 =	vor.u32 $0x2, v13  }
0x3e: {  	v13 =	vor.u32 $0x3, v13;
	[tilespmem:s1+$0x2C80] =	vst v17  }
0x3f: {  	[tilespmem:s0+$0x12C0] =	vst v13  }
0x40: {  	v17 =	vadd.s32 $0x10, v15;
	[tilespmem:s13], [sflag:$0x1] =	stream.indirect.gather [hbm4b:s3+s11], $0x1, s12, s11, $0xb8;
	[tilespmem:$0xF980] =	vst v63  }
0x41: {  	vm0 =	vgt.s32 v17, $0xC7;
	v16 =	vld.idx.msk [tilespmem:v16+s2+$0x0], $0xffff  }
0x42: {  	v15 =	vadd.s32 $0xFFFFFF48, v15;
	v13 =	vsel vm0, $0x1, v2  }
0x43: {  	v17 =	vsel vm0, v15, v17;
	v13 =	vadd.s32 v13, v14  }
0x44: {  	v18 =	vshll.u32 v17, $0x3;
	v15 =	vshll.u32 v13, $0x8  }
0x45: {  	v18 =	vand.u32 $0xFFFFFC00, v18;
	v19 =	vshll.u32 v13, $0x7;
	v15 =	vand.u32 $0xFFFFF800, v15  }
0x46: {  	v15 =	vadd.s32 v15, v18;
	v20 =	vshll.u32 v16, $0x2;
	v16 =	vand.u32 $0x380, v19  }
0x47: {  	s30 =	simm.s32 $0x3900;
	v15 =	vor.u32 v16, v15;
	v16 =	vand.u32 $0x7F, v17  }
0x48: {  	s1 =	simm.s32 $0x0;
	[tilespmem:s30+$0x0] =	vst v20;
	v18 =	vor.u32 $0x1, v20;
	v15 =	vor.u32 v16, v15  }
0x49: {  	s14 =	sand.u32 $0x7F0, s1;
	[tilespmem:s30+$0x640] =	vst v18;
	v18 =	vor.u32 $0x2, v20  }
0x4a: {  	s31 =	simm.s32 $0x10;
	s0 =	simm.s32 $0x20;
	v14 =	vadd.s32 $0xFFFFFF48, v17;
	v16 =	vadd.s32 $0x10, v17;
	v17 =	vor.u32 $0x3, v20;
	[tilespmem:s14+$0x4580] =	vst v18  }
.LBB2_4:
0x4b: {  	p0 =	sne.s32 s0, $0x630  }
0x4c: {  	vm0 =	vgt.s32 v16, $0xC7;
	[tilespmem:s30+$0x12C0] =	vst v17;
	s30 =	sadd.s32 $0x10, s30;
	s1 =	smov.u32 s0;
	s0 =	sadd.s32 $0x10, s0  }
0x4d: {  	v17 =	vld.idx.msk [tilespmem:v15+s2+$0x0], $0xffff;
	v16 =	vsel vm0, v14, v16;
	v15 =	vsel vm0, $0x1, v2  }
0x4e: {  	v14 =	vadd.s32 $0xFFFFFF48, v16;
	v13 =	vadd.s32 v15, v13  }
0x4f: {  	v18 =	vshll.u32 v16, $0x3;
	v15 =	vshll.u32 v13, $0x8  }
0x50: {  	v18 =	vand.u32 $0xFFFFFC00, v18;
	v19 =	vshll.u32 v13, $0x7;
	v15 =	vand.u32 $0xFFFFF800, v15  }
0x51: {  	v15 =	vadd.s32 v15, v18;
	v18 =	vand.u32 $0x380, v19  }
.Ltmp1:
0x52: {  	v19 =	vand.u32 $0x7F, v16;
	v15 =	vor.u32 v18, v15;
	(pc) =	sbr.rel @p0 .LBB2_4-.Ltmp1, $4  }
0x53: {  	v17 =	vshll.u32 v17, $0x2;
	v15 =	vor.u32 v19, v15  }
0x54: {  	v18 =	vor.u32 $0x1, v17;
	[tilespmem:s30+$0x0] =	vst v17  }
0x55: {  	s14 =	sand.u32 $0x7F0, s31;
	s31 =	smov.u32 s1;
	[tilespmem:s30+$0x640] =	vst v18;
	v18 =	vor.u32 $0x2, v17  }
0x56: {  	v16 =	vadd.s32 $0x10, v16;
	v17 =	vor.u32 $0x3, v17;
	[tilespmem:s14+$0x4580] =	vst v18  }
0x57: {  	_ =	sdelay $0x2  }
0x58: {  	[tilespmem:s30+$0x12C0] =	vst v17  }
0x59: {  	v13 =	vld.idx.msk [tilespmem:v15+s2+$0x0], $0xffff  }
0x5a: {  	v14 =	vimm.s32 $0x10;
	v15 =	vlaneseq.u32  }
0x5b: {  	v16 =	vshll.u32 v14, $0x8;
	v17 =	vshll.u32 v15, $0x3  }
0x5c: {  	v18 =	vshll.u32 v14, $0x7;
	v16 =	vand.u32 $0xFFFFF800, v16;
	v17 =	vand.u32 $0xFFFFFC00, v17  }
0x5d: {  	v16 =	vadd.s32 v16, v17;
	v17 =	vand.u32 $0x380, v18  }
0x5e: {  	s0 =	sadd.s32 $0x10, s30;
	v18 =	vand.u32 $0x7F, v15;
	v16 =	vor.u32 v17, v16;
	v13 =	vshll.u32 v13, $0x2  }
0x5f: {  	v16 =	vor.u32 v18, v16;
	[tilespmem:s0+$0x0] =	vst v13;
	v17 =	vor.u32 $0x1, v13  }
0x60: {  	s1 =	sand.u32 $0x7F0, s31;
	[tilespmem:s0+$0x640] =	vst v17;
	v17 =	vor.u32 $0x2, v13  }
0x61: {  	v13 =	vor.u32 $0x3, v13;
	[tilespmem:s1+$0x4580] =	vst v17  }
0x62: {  	s14 =	simm.s32 $0x3900;
	[tilespmem:s0+$0x12C0] =	vst v13  }
0x63: {  	v17 =	vadd.s32 $0x10, v15;
	[tilespmem:s15], [sflag:$0x2] =	stream.indirect.gather [hbm4b:s3+s11], $0x1, s14, s11, $0xb8;
	[tilespmem:$0xF980] =	vst v63  }
0x64: {  	vm0 =	vgt.s32 v17, $0xC7;
	v16 =	vld.idx.msk [tilespmem:v16+s2+$0x0], $0xffff  }
0x65: {  	v15 =	vadd.s32 $0xFFFFFF48, v15;
	v13 =	vsel vm0, $0x1, v2  }
0x66: {  	v17 =	vsel vm0, v15, v17;
	v13 =	vadd.s32 v13, v14  }
0x67: {  	v18 =	vshll.u32 v17, $0x3;
	v15 =	vshll.u32 v13, $0x8  }
0x68: {  	v18 =	vand.u32 $0xFFFFFC00, v18;
	v19 =	vshll.u32 v13, $0x7;
	v15 =	vand.u32 $0xFFFFF800, v15  }
0x69: {  	v15 =	vadd.s32 v15, v18;
	v20 =	vshll.u32 v16, $0x2;
	v16 =	vand.u32 $0x380, v19  }
0x6a: {  	s30 =	simm.s32 $0x5200;
	v15 =	vor.u32 v16, v15;
	v16 =	vand.u32 $0x7F, v17  }
0x6b: {  	s1 =	simm.s32 $0x0;
	[tilespmem:s30+$0x0] =	vst v20;
	v18 =	vor.u32 $0x1, v20;
	v15 =	vor.u32 v16, v15  }
0x6c: {  	s14 =	sand.u32 $0x7F0, s1;
	[tilespmem:s30+$0x640] =	vst v18;
	v18 =	vor.u32 $0x2, v20  }
0x6d: {  	s31 =	simm.s32 $0x10;
	s0 =	simm.s32 $0x20;
	v14 =	vadd.s32 $0xFFFFFF48, v17;
	v16 =	vadd.s32 $0x10, v17;
	v17 =	vor.u32 $0x3, v20;
	[tilespmem:s14+$0x5E80] =	vst v18  }
.LBB2_6:
0x6e: {  	p0 =	sne.s32 s0, $0x630  }
0x6f: {  	vm0 =	vgt.s32 v16, $0xC7;
	[tilespmem:s30+$0x12C0] =	vst v17;
	s30 =	sadd.s32 $0x10, s30;
	s1 =	smov.u32 s0;
	s0 =	sadd.s32 $0x10, s0  }
0x70: {  	v17 =	vld.idx.msk [tilespmem:v15+s2+$0x0], $0xffff;
	v16 =	vsel vm0, v14, v16;
	v15 =	vsel vm0, $0x1, v2  }
0x71: {  	v14 =	vadd.s32 $0xFFFFFF48, v16;
	v13 =	vadd.s32 v15, v13  }
0x72: {  	v18 =	vshll.u32 v16, $0x3;
	v15 =	vshll.u32 v13, $0x8  }
0x73: {  	v18 =	vand.u32 $0xFFFFFC00, v18;
	v19 =	vshll.u32 v13, $0x7;
	v15 =	vand.u32 $0xFFFFF800, v15  }
0x74: {  	v15 =	vadd.s32 v15, v18;
	v18 =	vand.u32 $0x380, v19  }
.Ltmp2:
0x75: {  	v19 =	vand.u32 $0x7F, v16;
	v15 =	vor.u32 v18, v15;
	(pc) =	sbr.rel @p0 .LBB2_6-.Ltmp2, $4  }
0x76: {  	v17 =	vshll.u32 v17, $0x2;
	v15 =	vor.u32 v19, v15  }
0x77: {  	v18 =	vor.u32 $0x1, v17;
	[tilespmem:s30+$0x0] =	vst v17  }
0x78: {  	s14 =	sand.u32 $0x7F0, s31;
	s31 =	smov.u32 s1;
	[tilespmem:s30+$0x640] =	vst v18;
	v18 =	vor.u32 $0x2, v17  }
0x79: {  	v16 =	vadd.s32 $0x10, v16;
	v17 =	vor.u32 $0x3, v17;
	[tilespmem:s14+$0x5E80] =	vst v18  }
0x7a: {  	_ =	sdelay $0x2  }
0x7b: {  	[tilespmem:s30+$0x12C0] =	vst v17  }
0x7c: {  	v13 =	vld.idx.msk [tilespmem:v15+s2+$0x0], $0xffff  }
0x7d: {  	v14 =	vimm.s32 $0x18;
	v15 =	vlaneseq.u32  }
0x7e: {  	v16 =	vshll.u32 v14, $0x8;
	v17 =	vshll.u32 v15, $0x3  }
0x7f: {  	v18 =	vshll.u32 v14, $0x7;
	v16 =	vand.u32 $0xFFFFF800, v16;
	v17 =	vand.u32 $0xFFFFFC00, v17  }
0x80: {  	v16 =	vadd.s32 v16, v17;
	v17 =	vand.u32 $0x380, v18  }
0x81: {  	s0 =	sadd.s32 $0x10, s30;
	v18 =	vand.u32 $0x7F, v15;
	v16 =	vor.u32 v17, v16;
	v13 =	vshll.u32 v13, $0x2  }
0x82: {  	v16 =	vor.u32 v18, v16;
	[tilespmem:s0+$0x0] =	vst v13;
	v17 =	vor.u32 $0x1, v13  }
0x83: {  	s1 =	sand.u32 $0x7F0, s31;
	[tilespmem:s0+$0x640] =	vst v17;
	v17 =	vor.u32 $0x2, v13  }
0x84: {  	v13 =	vor.u32 $0x3, v13;
	[tilespmem:s1+$0x5E80] =	vst v17  }
0x85: {  	[tilespmem:s0+$0x12C0] =	vst v13  }
0x86: {  	v17 =	vadd.s32 $0x10, v15;
	[tilespmem:s17], [sflag:$0x3] =	stream.indirect.gather [hbm4b:s3+s11], $0x1, s16, s11, $0xb8;
	[tilespmem:$0xF980] =	vst v63  }
0x87: {  	vm0 =	vgt.s32 v17, $0xC7;
	v16 =	vld.idx.msk [tilespmem:v16+s2+$0x0], $0xffff  }
0x88: {  	v15 =	vadd.s32 $0xFFFFFF48, v15;
	v13 =	vsel vm0, $0x1, v2  }
0x89: {  	v17 =	vsel vm0, v15, v17;
	v13 =	vadd.s32 v13, v14  }
0x8a: {  	v18 =	vshll.u32 v17, $0x3;
	v15 =	vshll.u32 v13, $0x8  }
0x8b: {  	v18 =	vand.u32 $0xFFFFFC00, v18;
	v19 =	vshll.u32 v13, $0x7;
	v15 =	vand.u32 $0xFFFFF800, v15  }
0x8c: {  	v15 =	vadd.s32 v15, v18;
	v20 =	vshll.u32 v16, $0x2;
	v16 =	vand.u32 $0x380, v19  }
0x8d: {  	s30 =	simm.s32 $0x6B00;
	v15 =	vor.u32 v16, v15;
	v16 =	vand.u32 $0x7F, v17  }
0x8e: {  	s1 =	simm.s32 $0x0;
	[tilespmem:s30+$0x0] =	vst v20;
	v18 =	vor.u32 $0x1, v20;
	v15 =	vor.u32 v16, v15  }
0x8f: {  	s14 =	sand.u32 $0x7F0, s1;
	[tilespmem:s30+$0x640] =	vst v18;
	v18 =	vor.u32 $0x2, v20  }
0x90: {  	s31 =	simm.s32 $0x10;
	s0 =	simm.s32 $0x20;
	v14 =	vadd.s32 $0xFFFFFF48, v17;
	v16 =	vadd.s32 $0x10, v17;
	v17 =	vor.u32 $0x3, v20;
	[tilespmem:s14+$0x7780] =	vst v18  }
.LBB2_8:
0x91: {  	p0 =	sne.s32 s0, $0x630  }
0x92: {  	vm0 =	vgt.s32 v16, $0xC7;
	[tilespmem:s30+$0x12C0] =	vst v17;
	s30 =	sadd.s32 $0x10, s30;
	s1 =	smov.u32 s0;
	s0 =	sadd.s32 $0x10, s0  }
0x93: {  	v17 =	vld.idx.msk [tilespmem:v15+s2+$0x0], $0xffff;
	v16 =	vsel vm0, v14, v16;
	v15 =	vsel vm0, $0x1, v2  }
0x94: {  	v14 =	vadd.s32 $0xFFFFFF48, v16;
	v13 =	vadd.s32 v15, v13  }
0x95: {  	v18 =	vshll.u32 v16, $0x3;
	v15 =	vshll.u32 v13, $0x8  }
0x96: {  	v18 =	vand.u32 $0xFFFFFC00, v18;
	v19 =	vshll.u32 v13, $0x7;
	v15 =	vand.u32 $0xFFFFF800, v15  }
0x97: {  	v15 =	vadd.s32 v15, v18;
	v18 =	vand.u32 $0x380, v19  }
.Ltmp3:
0x98: {  	v19 =	vand.u32 $0x7F, v16;
	v15 =	vor.u32 v18, v15;
	(pc) =	sbr.rel @p0 .LBB2_8-.Ltmp3, $4  }
0x99: {  	v17 =	vshll.u32 v17, $0x2;
	v15 =	vor.u32 v19, v15  }
0x9a: {  	v18 =	vor.u32 $0x1, v17;
	[tilespmem:s30+$0x0] =	vst v17  }
0x9b: {  	s14 =	sand.u32 $0x7F0, s31;
	s31 =	smov.u32 s1;
	[tilespmem:s30+$0x640] =	vst v18;
	v18 =	vor.u32 $0x2, v17  }
0x9c: {  	v16 =	vadd.s32 $0x10, v16;
	v17 =	vor.u32 $0x3, v17;
	[tilespmem:s14+$0x7780] =	vst v18  }
0x9d: {  	_ =	sdelay $0x2  }
0x9e: {  	[tilespmem:s30+$0x12C0] =	vst v17  }
0x9f: {  	v13 =	vld.idx.msk [tilespmem:v15+s2+$0x0], $0xffff;
	_ =	sdelay $0x4  }
0xa0: {  	s0 =	sadd.s32 $0x10, s30;
	v13 =	vshll.u32 v13, $0x2  }
0xa1: {  	[tilespmem:s0+$0x0] =	vst v13;
	v14 =	vor.u32 $0x1, v13  }
0xa2: {  	s1 =	sand.u32 $0x7F0, s31;
	[tilespmem:s0+$0x640] =	vst v14;
	v14 =	vor.u32 $0x2, v13  }
0xa3: {  	v13 =	vor.u32 $0x3, v13;
	[tilespmem:s1+$0x7780] =	vst v14  }
0xa4: {  	[tilespmem:s0+$0x12C0] =	vst v13  }
0xa5: {  	[tilespmem:s19], [sflag:$0x4] =	stream.indirect.gather [hbm4b:s3+s11], $0x1, s18, s11, $0xb8;
	[tilespmem:$0xF980] =	vst v63  }
0xa6: {  	v13 =	vld.idx.msk [tilespmem:v1+s10+$0x0], $0xffff;
	_ =	sdelay $0x4  }
0xa7: {  	v13 =	vshll.u32 v13, $0x2  }
0xa8: {  	v13 =	vor.u32 v3, v13  }
0xa9: {  	[tilespmem:$0xF800] =	vst v13  }
0xaa: {  	v13 =	vld.idx.msk [tilespmem:v4+s10+$0x0], $0xffff;
	_ =	sdelay $0x4  }
0xab: {  	v13 =	vshll.u32 v13, $0x2  }
0xac: {  	v13 =	vor.u32 v3, v13  }
0xad: {  	[tilespmem:$0xF810] =	vst v13  }
0xae: {  	v13 =	vld.idx.msk [tilespmem:v5+s10+$0x0], $0xffff;
	_ =	sdelay $0x4  }
0xaf: {  	v13 =	vshll.u32 v13, $0x2  }
0xb0: {  	v13 =	vor.u32 v3, v13  }
0xb1: {  	[tilespmem:$0xF820] =	vst v13  }
0xb2: {  	v13 =	vld.idx.msk [tilespmem:v6+s10+$0x0], $0xffff;
	_ =	sdelay $0x4  }
0xb3: {  	v13 =	vshll.u32 v13, $0x2  }
0xb4: {  	v13 =	vor.u32 v3, v13  }
0xb5: {  	[tilespmem:$0xF830] =	vst v13  }
0xb6: {  	v13 =	vld.idx.msk [tilespmem:v7+s10+$0x0], $0xffff;
	_ =	sdelay $0x4  }
0xb7: {  	v13 =	vshll.u32 v13, $0x2  }
0xb8: {  	v13 =	vor.u32 v3, v13  }
0xb9: {  	[tilespmem:$0xF840] =	vst v13  }
0xba: {  	v13 =	vld.idx.msk [tilespmem:v8+s10+$0x0], $0xffff;
	_ =	sdelay $0x4  }
0xbb: {  	v13 =	vshll.u32 v13, $0x2  }
0xbc: {  	v13 =	vor.u32 v3, v13  }
0xbd: {  	[tilespmem:$0xF850] =	vst v13  }
0xbe: {  	v13 =	vld.idx.msk [tilespmem:v9+s10+$0x0], $0xffff;
	_ =	sdelay $0x4  }
0xbf: {  	v13 =	vshll.u32 v13, $0x2  }
0xc0: {  	v13 =	vor.u32 v3, v13  }
0xc1: {  	[tilespmem:$0xF860] =	vst v13  }
0xc2: {  	v13 =	vld.idx.msk [tilespmem:v10+s10+$0x0], $0xffff;
	_ =	sdelay $0x4  }
0xc3: {  	v13 =	vshll.u32 v13, $0x2  }
0xc4: {  	v13 =	vor.u32 v3, v13  }
0xc5: {  	[tilespmem:$0xF870] =	vst v13  }
0xc6: {  	[tilespmem:s22], [sflag:$0x5] =	stream.indirect.gather [hbm4b:s4+s20], $0x1, s21, s20, $0xb8;
	[tilespmem:$0xF980] =	vst v63  }
0xc7: {  	s30 =	simm.s32 $0x3;
	_ =	swait.ge [sflag:s23], $0x80  }
0xc8: {  	s31 =	simm.s32 $0x0;
	v13 =	vadd.s32 s30, v11;
	[sflag:s23] =	ssyncset.done $0x0  }
0xc9: {  	v14 =	vadd.s32 s31, v11;
	s1 =	simm.s32 $0x1;
	[sflag:s23] =	ssyncadd.s32 $0xFFFFFF80  }
0xca: {  	s14 =	simm.s32 $0x2;
	v15 =	vadd.s32 s1, v11;
	_ =	swait.ge [sflag:s24], $0x1900  }
0xcb: {  	v16 =	vadd.s32 s14, v11;
	[sflag:s24] =	ssyncset.done $0x0  }
0xcc: {  	[sflag:s24] =	ssyncadd.s32 $0xFFFFE700  }
0xcd: {  	s30 =	simm.s32 $0x7;
	v17 =	vld.idx.msk [tilespmem:v13+s13+$0x0], $0xffff  }
0xce: {  	s31 =	simm.s32 $0x4;
	v18 =	vadd.s32 s30, v11;
	v19 =	vld.idx.msk [tilespmem:v14+s13+$0x0], $0xffff  }
0xcf: {  	s14 =	simm.s32 $0x5;
	v14 =	vadd.s32 s31, v11;
	v20 =	vld.idx.msk [tilespmem:v15+s13+$0x0], $0xffff  }
0xd0: {  	s30 =	simm.s32 $0x6;
	v15 =	vadd.s32 s14, v11;
	v21 =	vld.idx.msk [tilespmem:v16+s13+$0x0], $0xffff  }
0xd1: {  	v22 =	vadd.s32 s30, v11  }
0xd2: {  	s31 =	simm.s32 $0xB;
	v13 =	vld [tilespmem:$0xF880]  }
0xd3: {  	v16 =	vld.idx.msk [tilespmem:v18+s13+$0x0], $0xffff;
	s14 =	simm.s32 $0x8;
	v23 =	vadd.s32 s31, v11  }
0xd4: {  	s30 =	simm.s32 $0x9;
	v14 =	vld.idx.msk [tilespmem:v14+s13+$0x0], $0xffff;
	v18 =	vadd.f32 v20, v19;
	v19 =	vadd.s32 s14, v11  }
0xd5: {  	s31 =	simm.s32 $0xA;
	v15 =	vld.idx.msk [tilespmem:v15+s13+$0x0], $0xffff;
	v24 =	vadd.f32 v17, v21;
	v20 =	vadd.s32 s30, v11  }
0xd6: {  	v17 =	vld.idx.msk [tilespmem:v22+s13+$0x0], $0xffff;
	v21 =	vadd.s32 s31, v11  }
0xd7: {  	v22 =	vadd.f32 v24, v18  }
0xd8: {  	s0 =	simm.s32 $0xF;
	v18 =	vld.idx.msk [tilespmem:v23+s13+$0x0], $0xffff  }
.LBB2_10:
0xd9: {  	s1 =	sadd.s32 $0xFFFFFFFD, s0;
	v23 =	vadd.s32 s0, v11;
	v13 =	vadd.f32 v22, v13;
	v22 =	vmov v14;
	v14 =	vld.idx.msk [tilespmem:v19+s13+$0x0], $0xffff;
	p0 =	sne.s32 s0, $0xC7  }
.Ltmp4:
0xda: {  	v24 =	vmov v15;
	v19 =	vadd.s32 s1, v11;
	s1 =	sadd.s32 $0xFFFFFFFE, s0;
	v15 =	vld.idx.msk [tilespmem:v20+s13+$0x0], $0xffff;
	(pc) =	sbr.rel @p0 .LBB2_10-.Ltmp4, $4  }
0xdb: {  	v22 =	vadd.f32 v24, v22;
	v24 =	vadd.f32 v16, v17;
	v20 =	vadd.s32 s1, v11;
	s1 =	sadd.s32 $0xFFFFFFFF, s0;
	s0 =	sadd.s32 $0x4, s0;
	v17 =	vld.idx.msk [tilespmem:v21+s13+$0x0], $0xffff  }
0xdc: {  	v21 =	vadd.s32 s1, v11  }
0xdd: {  	v22 =	vadd.f32 v24, v22  }
0xde: {  	v16 =	vmov v18;
	v18 =	vld.idx.msk [tilespmem:v23+s13+$0x0], $0xffff  }
0xdf: {  	_ =	sdelay $0x3  }
0xe0: {  	v19 =	vld.idx.msk [tilespmem:v19+s13+$0x0], $0xffff  }
0xe1: {  	v20 =	vld.idx.msk [tilespmem:v20+s13+$0x0], $0xffff  }
0xe2: {  	v21 =	vld.idx.msk [tilespmem:v21+s13+$0x0], $0xffff;
	_ =	sdelay $0x1  }
0xe3: {  	v14 =	vadd.f32 v15, v14;
	v15 =	vadd.f32 v16, v17;
	_ =	sdelay $0x1  }
0xe4: {  	v13 =	vadd.f32 v22, v13;
	v14 =	vadd.f32 v15, v14  }
0xe5: {  	v15 =	vadd.f32 v20, v19;
	v16 =	vadd.f32 v18, v21  }
0xe6: {  	s0 =	simm.s32 $0x3  }
0xe7: {  	s1 =	simm.s32 $0x0;
	v13 =	vadd.f32 v14, v13;
	v14 =	vadd.f32 v16, v15;
	v15 =	vadd.s32 s0, v12  }
0xe8: {  	v16 =	vadd.s32 s1, v12;
	s1 =	simm.s32 $0x1  }
0xe9: {  	s14 =	simm.s32 $0x2;
	v13 =	vadd.f32 v14, v13;
	v14 =	vadd.s32 s1, v12  }
0xea: {  	v17 =	vadd.s32 s14, v12  }
0xeb: {  	s31 =	simm.s32 $0x4;
	[tilespmem:$0xF900] =	vst v13  }
0xec: {  	s30 =	simm.s32 $0x7;
	v20 =	vadd.s32 s31, v12;
	v18 =	vld.idx.msk [tilespmem:v15+s13+$0x0], $0xffff  }
0xed: {  	s14 =	simm.s32 $0x5;
	v15 =	vadd.s32 s30, v12;
	v19 =	vld.idx.msk [tilespmem:v16+s13+$0x0], $0xffff  }
0xee: {  	v22 =	vadd.s32 s14, v12;
	v21 =	vld.idx.msk [tilespmem:v14+s13+$0x0], $0xffff  }
0xef: {  	s30 =	simm.s32 $0x6;
	v17 =	vld.idx.msk [tilespmem:v17+s13+$0x0], $0xffff  }
0xf0: {  	v13 =	vld [tilespmem:$0xF890];
	v23 =	vadd.s32 s30, v12  }
0xf1: {  	s31 =	simm.s32 $0xB;
	v14 =	vld.idx.msk [tilespmem:v20+s13+$0x0], $0xffff  }
0xf2: {  	s14 =	simm.s32 $0x8;
	v24 =	vadd.s32 s31, v12;
	v16 =	vld.idx.msk [tilespmem:v15+s13+$0x0], $0xffff  }
0xf3: {  	s30 =	simm.s32 $0x9;
	v15 =	vld.idx.msk [tilespmem:v22+s13+$0x0], $0xffff;
	v22 =	vadd.f32 v21, v19;
	v19 =	vadd.s32 s14, v12  }
0xf4: {  	s31 =	simm.s32 $0xA;
	v20 =	vadd.s32 s30, v12;
	v18 =	vadd.f32 v18, v17  }
0xf5: {  	v17 =	vld.idx.msk [tilespmem:v23+s13+$0x0], $0xffff;
	v21 =	vadd.s32 s31, v12  }
0xf6: {  	v22 =	vadd.f32 v18, v22  }
0xf7: {  	s0 =	simm.s32 $0xF;
	v18 =	vld.idx.msk [tilespmem:v24+s13+$0x0], $0xffff  }
.LBB2_12:
0xf8: {  	s1 =	sadd.s32 $0xFFFFFFFD, s0;
	v23 =	vadd.s32 s0, v12;
	v13 =	vadd.f32 v22, v13;
	v22 =	vmov v14;
	v14 =	vld.idx.msk [tilespmem:v19+s13+$0x0], $0xffff;
	p0 =	sne.s32 s0, $0xC7  }
.Ltmp5:
0xf9: {  	v24 =	vmov v15;
	v19 =	vadd.s32 s1, v12;
	s1 =	sadd.s32 $0xFFFFFFFE, s0;
	v15 =	vld.idx.msk [tilespmem:v20+s13+$0x0], $0xffff;
	(pc) =	sbr.rel @p0 .LBB2_12-.Ltmp5, $4  }
0xfa: {  	v22 =	vadd.f32 v24, v22;
	v24 =	vadd.f32 v16, v17;
	v20 =	vadd.s32 s1, v12;
	s1 =	sadd.s32 $0xFFFFFFFF, s0;
	s0 =	sadd.s32 $0x4, s0;
	v17 =	vld.idx.msk [tilespmem:v21+s13+$0x0], $0xffff  }
0xfb: {  	v21 =	vadd.s32 s1, v12  }
0xfc: {  	v22 =	vadd.f32 v24, v22  }
0xfd: {  	v16 =	vmov v18;
	v18 =	vld.idx.msk [tilespmem:v23+s13+$0x0], $0xffff  }
0xfe: {  	_ =	sdelay $0x3  }
0xff: {  	v19 =	vld.idx.msk [tilespmem:v19+s13+$0x0], $0xffff  }
0x100: {  	v20 =	vld.idx.msk [tilespmem:v20+s13+$0x0], $0xffff  }
0x101: {  	v21 =	vld.idx.msk [tilespmem:v21+s13+$0x0], $0xffff;
	_ =	sdelay $0x1  }
0x102: {  	v14 =	vadd.f32 v15, v14;
	v15 =	vadd.f32 v16, v17;
	_ =	sdelay $0x1  }
0x103: {  	v13 =	vadd.f32 v22, v13;
	v14 =	vadd.f32 v15, v14  }
0x104: {  	v15 =	vadd.f32 v20, v19;
	v16 =	vadd.f32 v18, v21;
	_ =	sdelay $0x1  }
0x105: {  	v13 =	vadd.f32 v14, v13;
	v14 =	vadd.f32 v16, v15;
	_ =	sdelay $0x1  }
0x106: {  	s0 =	simm.s32 $0x3;
	v13 =	vadd.f32 v14, v13  }
0x107: {  	s14 =	simm.s32 $0x2;
	v14 =	vadd.s32 s0, v11  }
0x108: {  	s1 =	simm.s32 $0x0;
	v16 =	vadd.s32 s14, v11;
	[tilespmem:$0xF910] =	vst v13  }
0x109: {  	v13 =	vadd.s32 s1, v11;
	s1 =	simm.s32 $0x1;
	_ =	swait.ge [sflag:s25], $0x1900  }
0x10a: {  	v15 =	vadd.s32 s1, v11;
	[sflag:s25] =	ssyncset.done $0x0  }
0x10b: {  	[sflag:s25] =	ssyncadd.s32 $0xFFFFE700  }
0x10c: {  	s30 =	simm.s32 $0x7;
	v17 =	vld.idx.msk [tilespmem:v14+s15+$0x0], $0xffff  }
0x10d: {  	s31 =	simm.s32 $0x4;
	v14 =	vadd.s32 s30, v11;
	v21 =	vld.idx.msk [tilespmem:v16+s15+$0x0], $0xffff  }
0x10e: {  	v19 =	vadd.s32 s31, v11;
	s14 =	simm.s32 $0x5;
	v18 =	vld.idx.msk [tilespmem:v13+s15+$0x0], $0xffff  }
0x10f: {  	s30 =	simm.s32 $0x6;
	v20 =	vld.idx.msk [tilespmem:v15+s15+$0x0], $0xffff;
	v15 =	vadd.s32 s14, v11  }
0x110: {  	v22 =	vadd.s32 s30, v11  }
0x111: {  	s31 =	simm.s32 $0xB;
	v13 =	vld [tilespmem:$0xF8A0]  }
0x112: {  	v23 =	vadd.s32 s31, v11;
	s14 =	simm.s32 $0x8;
	v16 =	vld.idx.msk [tilespmem:v14+s15+$0x0], $0xffff  }
0x113: {  	s30 =	simm.s32 $0x9;
	v14 =	vld.idx.msk [tilespmem:v19+s15+$0x0], $0xffff;
	v19 =	vadd.s32 s14, v11  }
0x114: {  	s31 =	simm.s32 $0xA;
	v24 =	vadd.f32 v17, v21;
	v15 =	vld.idx.msk [tilespmem:v15+s15+$0x0], $0xffff;
	v18 =	vadd.f32 v20, v18;
	v20 =	vadd.s32 s30, v11  }
0x115: {  	v21 =	vadd.s32 s31, v11;
	v17 =	vld.idx.msk [tilespmem:v22+s15+$0x0], $0xffff  }
0x116: {  	v22 =	vadd.f32 v24, v18  }
0x117: {  	s0 =	simm.s32 $0xF;
	v18 =	vld.idx.msk [tilespmem:v23+s15+$0x0], $0xffff  }
.LBB2_14:
0x118: {  	s1 =	sadd.s32 $0xFFFFFFFD, s0;
	v23 =	vadd.s32 s0, v11;
	v13 =	vadd.f32 v22, v13;
	v22 =	vmov v14;
	v14 =	vld.idx.msk [tilespmem:v19+s15+$0x0], $0xffff;
	p0 =	sne.s32 s0, $0xC7  }
.Ltmp6:
0x119: {  	v24 =	vmov v15;
	v19 =	vadd.s32 s1, v11;
	s1 =	sadd.s32 $0xFFFFFFFE, s0;
	v15 =	vld.idx.msk [tilespmem:v20+s15+$0x0], $0xffff;
	(pc) =	sbr.rel @p0 .LBB2_14-.Ltmp6, $4  }
0x11a: {  	v22 =	vadd.f32 v24, v22;
	v24 =	vadd.f32 v16, v17;
	v20 =	vadd.s32 s1, v11;
	s1 =	sadd.s32 $0xFFFFFFFF, s0;
	s0 =	sadd.s32 $0x4, s0;
	v17 =	vld.idx.msk [tilespmem:v21+s15+$0x0], $0xffff  }
0x11b: {  	v21 =	vadd.s32 s1, v11  }
0x11c: {  	v22 =	vadd.f32 v24, v22  }
0x11d: {  	v16 =	vmov v18;
	v18 =	vld.idx.msk [tilespmem:v23+s15+$0x0], $0xffff  }
0x11e: {  	_ =	sdelay $0x3  }
0x11f: {  	v19 =	vld.idx.msk [tilespmem:v19+s15+$0x0], $0xffff  }
0x120: {  	v20 =	vld.idx.msk [tilespmem:v20+s15+$0x0], $0xffff  }
0x121: {  	v21 =	vld.idx.msk [tilespmem:v21+s15+$0x0], $0xffff;
	_ =	sdelay $0x1  }
0x122: {  	v14 =	vadd.f32 v15, v14;
	v15 =	vadd.f32 v16, v17;
	_ =	sdelay $0x1  }
0x123: {  	v13 =	vadd.f32 v22, v13;
	v14 =	vadd.f32 v15, v14  }
0x124: {  	v15 =	vadd.f32 v20, v19;
	v16 =	vadd.f32 v18, v21  }
0x125: {  	s0 =	simm.s32 $0x3  }
0x126: {  	s1 =	simm.s32 $0x0;
	v13 =	vadd.f32 v14, v13;
	v14 =	vadd.f32 v16, v15;
	v15 =	vadd.s32 s0, v12  }
0x127: {  	v16 =	vadd.s32 s1, v12;
	s1 =	simm.s32 $0x1  }
0x128: {  	s14 =	simm.s32 $0x2;
	v13 =	vadd.f32 v14, v13;
	v14 =	vadd.s32 s1, v12  }
0x129: {  	v17 =	vadd.s32 s14, v12  }
0x12a: {  	s31 =	simm.s32 $0x4;
	[tilespmem:$0xF920] =	vst v13  }
0x12b: {  	s30 =	simm.s32 $0x7;
	v20 =	vadd.s32 s31, v12;
	v18 =	vld.idx.msk [tilespmem:v15+s15+$0x0], $0xffff  }
0x12c: {  	s14 =	simm.s32 $0x5;
	v15 =	vadd.s32 s30, v12;
	v19 =	vld.idx.msk [tilespmem:v16+s15+$0x0], $0xffff  }
0x12d: {  	v22 =	vadd.s32 s14, v12;
	v21 =	vld.idx.msk [tilespmem:v14+s15+$0x0], $0xffff  }
0x12e: {  	s30 =	simm.s32 $0x6;
	v17 =	vld.idx.msk [tilespmem:v17+s15+$0x0], $0xffff  }
0x12f: {  	v13 =	vld [tilespmem:$0xF8B0];
	v23 =	vadd.s32 s30, v12  }
0x130: {  	s31 =	simm.s32 $0xB;
	v14 =	vld.idx.msk [tilespmem:v20+s15+$0x0], $0xffff  }
0x131: {  	s14 =	simm.s32 $0x8;
	v24 =	vadd.s32 s31, v12;
	v16 =	vld.idx.msk [tilespmem:v15+s15+$0x0], $0xffff  }
0x132: {  	s30 =	simm.s32 $0x9;
	v15 =	vld.idx.msk [tilespmem:v22+s15+$0x0], $0xffff;
	v22 =	vadd.f32 v21, v19;
	v19 =	vadd.s32 s14, v12  }
0x133: {  	s31 =	simm.s32 $0xA;
	v20 =	vadd.s32 s30, v12;
	v18 =	vadd.f32 v18, v17  }
0x134: {  	v17 =	vld.idx.msk [tilespmem:v23+s15+$0x0], $0xffff;
	v21 =	vadd.s32 s31, v12  }
0x135: {  	v22 =	vadd.f32 v18, v22  }
0x136: {  	s0 =	simm.s32 $0xF;
	v18 =	vld.idx.msk [tilespmem:v24+s15+$0x0], $0xffff  }
.LBB2_16:
0x137: {  	s1 =	sadd.s32 $0xFFFFFFFD, s0;
	v23 =	vadd.s32 s0, v12;
	v13 =	vadd.f32 v22, v13;
	v22 =	vmov v14;
	v14 =	vld.idx.msk [tilespmem:v19+s15+$0x0], $0xffff;
	p0 =	sne.s32 s0, $0xC7  }
.Ltmp7:
0x138: {  	v24 =	vmov v15;
	v19 =	vadd.s32 s1, v12;
	s1 =	sadd.s32 $0xFFFFFFFE, s0;
	v15 =	vld.idx.msk [tilespmem:v20+s15+$0x0], $0xffff;
	(pc) =	sbr.rel @p0 .LBB2_16-.Ltmp7, $4  }
0x139: {  	v22 =	vadd.f32 v24, v22;
	v24 =	vadd.f32 v16, v17;
	v20 =	vadd.s32 s1, v12;
	s1 =	sadd.s32 $0xFFFFFFFF, s0;
	s0 =	sadd.s32 $0x4, s0;
	v17 =	vld.idx.msk [tilespmem:v21+s15+$0x0], $0xffff  }
0x13a: {  	v21 =	vadd.s32 s1, v12  }
0x13b: {  	v22 =	vadd.f32 v24, v22  }
0x13c: {  	v16 =	vmov v18;
	v18 =	vld.idx.msk [tilespmem:v23+s15+$0x0], $0xffff  }
0x13d: {  	_ =	sdelay $0x3  }
0x13e: {  	v19 =	vld.idx.msk [tilespmem:v19+s15+$0x0], $0xffff  }
0x13f: {  	v20 =	vld.idx.msk [tilespmem:v20+s15+$0x0], $0xffff  }
0x140: {  	v21 =	vld.idx.msk [tilespmem:v21+s15+$0x0], $0xffff;
	_ =	sdelay $0x1  }
0x141: {  	v14 =	vadd.f32 v15, v14;
	v15 =	vadd.f32 v16, v17;
	_ =	sdelay $0x1  }
0x142: {  	v13 =	vadd.f32 v22, v13;
	v14 =	vadd.f32 v15, v14  }
0x143: {  	v15 =	vadd.f32 v20, v19;
	v16 =	vadd.f32 v18, v21;
	_ =	sdelay $0x1  }
0x144: {  	v13 =	vadd.f32 v14, v13;
	v14 =	vadd.f32 v16, v15;
	_ =	sdelay $0x1  }
0x145: {  	s0 =	simm.s32 $0x3;
	v13 =	vadd.f32 v14, v13  }
0x146: {  	s31 =	simm.s32 $0x1;
	v14 =	vadd.s32 s0, v11  }
0x147: {  	s14 =	simm.s32 $0x2;
	v15 =	vadd.s32 s31, v11;
	[tilespmem:$0xF930] =	vst v13  }
0x148: {  	s1 =	simm.s32 $0x0;
	v16 =	vadd.s32 s14, v11;
	_ =	swait.ge [sflag:s0], $0x1900  }
0x149: {  	v13 =	vadd.s32 s1, v11;
	[sflag:s0] =	ssyncset.done $0x0  }
0x14a: {  	[sflag:s0] =	ssyncadd.s32 $0xFFFFE700  }
0x14b: {  	s30 =	simm.s32 $0x7;
	v17 =	vld.idx.msk [tilespmem:v14+s17+$0x0], $0xffff  }
0x14c: {  	s31 =	simm.s32 $0x4;
	v14 =	vadd.s32 s30, v11;
	v20 =	vld.idx.msk [tilespmem:v15+s17+$0x0], $0xffff  }
0x14d: {  	s14 =	simm.s32 $0x5;
	v19 =	vadd.s32 s31, v11;
	v21 =	vld.idx.msk [tilespmem:v16+s17+$0x0], $0xffff  }
0x14e: {  	v15 =	vadd.s32 s14, v11;
	s30 =	simm.s32 $0x6;
	v18 =	vld.idx.msk [tilespmem:v13+s17+$0x0], $0xffff  }
0x14f: {  	v22 =	vadd.s32 s30, v11  }
0x150: {  	s31 =	simm.s32 $0xB;
	v13 =	vld [tilespmem:$0xF8C0]  }
0x151: {  	v23 =	vadd.s32 s31, v11;
	s14 =	simm.s32 $0x8;
	v16 =	vld.idx.msk [tilespmem:v14+s17+$0x0], $0xffff  }
0x152: {  	s30 =	simm.s32 $0x9;
	v14 =	vld.idx.msk [tilespmem:v19+s17+$0x0], $0xffff;
	v19 =	vadd.s32 s14, v11  }
0x153: {  	s31 =	simm.s32 $0xA;
	v15 =	vld.idx.msk [tilespmem:v15+s17+$0x0], $0xffff;
	v24 =	vadd.f32 v17, v21;
	v18 =	vadd.f32 v20, v18;
	v20 =	vadd.s32 s30, v11  }
0x154: {  	v21 =	vadd.s32 s31, v11;
	v17 =	vld.idx.msk [tilespmem:v22+s17+$0x0], $0xffff  }
0x155: {  	v22 =	vadd.f32 v24, v18  }
0x156: {  	s0 =	simm.s32 $0xF;
	v18 =	vld.idx.msk [tilespmem:v23+s17+$0x0], $0xffff  }
.LBB2_18:
0x157: {  	s1 =	sadd.s32 $0xFFFFFFFD, s0;
	v23 =	vadd.s32 s0, v11;
	v13 =	vadd.f32 v22, v13;
	v22 =	vmov v14;
	v14 =	vld.idx.msk [tilespmem:v19+s17+$0x0], $0xffff;
	p0 =	sne.s32 s0, $0xC7  }
.Ltmp8:
0x158: {  	v24 =	vmov v15;
	v19 =	vadd.s32 s1, v11;
	s1 =	sadd.s32 $0xFFFFFFFE, s0;
	v15 =	vld.idx.msk [tilespmem:v20+s17+$0x0], $0xffff;
	(pc) =	sbr.rel @p0 .LBB2_18-.Ltmp8, $4  }
0x159: {  	v22 =	vadd.f32 v24, v22;
	v24 =	vadd.f32 v16, v17;
	v20 =	vadd.s32 s1, v11;
	s1 =	sadd.s32 $0xFFFFFFFF, s0;
	s0 =	sadd.s32 $0x4, s0;
	v17 =	vld.idx.msk [tilespmem:v21+s17+$0x0], $0xffff  }
0x15a: {  	v21 =	vadd.s32 s1, v11  }
0x15b: {  	v22 =	vadd.f32 v24, v22  }
0x15c: {  	v16 =	vmov v18;
	v18 =	vld.idx.msk [tilespmem:v23+s17+$0x0], $0xffff  }
0x15d: {  	_ =	sdelay $0x3  }
0x15e: {  	v19 =	vld.idx.msk [tilespmem:v19+s17+$0x0], $0xffff  }
0x15f: {  	v20 =	vld.idx.msk [tilespmem:v20+s17+$0x0], $0xffff  }
0x160: {  	v21 =	vld.idx.msk [tilespmem:v21+s17+$0x0], $0xffff;
	_ =	sdelay $0x1  }
0x161: {  	v14 =	vadd.f32 v15, v14;
	v15 =	vadd.f32 v16, v17;
	_ =	sdelay $0x1  }
0x162: {  	v13 =	vadd.f32 v22, v13;
	v14 =	vadd.f32 v15, v14  }
0x163: {  	v15 =	vadd.f32 v20, v19;
	v16 =	vadd.f32 v18, v21  }
0x164: {  	s0 =	simm.s32 $0x3  }
0x165: {  	s1 =	simm.s32 $0x0;
	v13 =	vadd.f32 v14, v13;
	v14 =	vadd.f32 v16, v15;
	v15 =	vadd.s32 s0, v12  }
0x166: {  	v16 =	vadd.s32 s1, v12;
	s1 =	simm.s32 $0x1  }
0x167: {  	s14 =	simm.s32 $0x2;
	v13 =	vadd.f32 v14, v13;
	v14 =	vadd.s32 s1, v12  }
0x168: {  	v17 =	vadd.s32 s14, v12  }
0x169: {  	s31 =	simm.s32 $0x4;
	[tilespmem:$0xF940] =	vst v13  }
0x16a: {  	s30 =	simm.s32 $0x7;
	v20 =	vadd.s32 s31, v12;
	v18 =	vld.idx.msk [tilespmem:v15+s17+$0x0], $0xffff  }
0x16b: {  	s14 =	simm.s32 $0x5;
	v15 =	vadd.s32 s30, v12;
	v19 =	vld.idx.msk [tilespmem:v16+s17+$0x0], $0xffff  }
0x16c: {  	v22 =	vadd.s32 s14, v12;
	v21 =	vld.idx.msk [tilespmem:v14+s17+$0x0], $0xffff  }
0x16d: {  	s30 =	simm.s32 $0x6;
	v17 =	vld.idx.msk [tilespmem:v17+s17+$0x0], $0xffff  }
0x16e: {  	v13 =	vld [tilespmem:$0xF8D0];
	v23 =	vadd.s32 s30, v12  }
0x16f: {  	s31 =	simm.s32 $0xB;
	v14 =	vld.idx.msk [tilespmem:v20+s17+$0x0], $0xffff  }
0x170: {  	s14 =	simm.s32 $0x8;
	v24 =	vadd.s32 s31, v12;
	v16 =	vld.idx.msk [tilespmem:v15+s17+$0x0], $0xffff  }
0x171: {  	s30 =	simm.s32 $0x9;
	v15 =	vld.idx.msk [tilespmem:v22+s17+$0x0], $0xffff;
	v22 =	vadd.f32 v21, v19;
	v19 =	vadd.s32 s14, v12  }
0x172: {  	s31 =	simm.s32 $0xA;
	v20 =	vadd.s32 s30, v12;
	v18 =	vadd.f32 v18, v17  }
0x173: {  	v17 =	vld.idx.msk [tilespmem:v23+s17+$0x0], $0xffff;
	v21 =	vadd.s32 s31, v12  }
0x174: {  	v22 =	vadd.f32 v18, v22  }
0x175: {  	s0 =	simm.s32 $0xF;
	v18 =	vld.idx.msk [tilespmem:v24+s17+$0x0], $0xffff  }
.LBB2_20:
0x176: {  	s1 =	sadd.s32 $0xFFFFFFFD, s0;
	v23 =	vadd.s32 s0, v12;
	v13 =	vadd.f32 v22, v13;
	v22 =	vmov v14;
	v14 =	vld.idx.msk [tilespmem:v19+s17+$0x0], $0xffff;
	p0 =	sne.s32 s0, $0xC7  }
.Ltmp9:
0x177: {  	v24 =	vmov v15;
	v19 =	vadd.s32 s1, v12;
	s1 =	sadd.s32 $0xFFFFFFFE, s0;
	v15 =	vld.idx.msk [tilespmem:v20+s17+$0x0], $0xffff;
	(pc) =	sbr.rel @p0 .LBB2_20-.Ltmp9, $4  }
0x178: {  	v22 =	vadd.f32 v24, v22;
	v24 =	vadd.f32 v16, v17;
	v20 =	vadd.s32 s1, v12;
	s1 =	sadd.s32 $0xFFFFFFFF, s0;
	s0 =	sadd.s32 $0x4, s0;
	v17 =	vld.idx.msk [tilespmem:v21+s17+$0x0], $0xffff  }
0x179: {  	v21 =	vadd.s32 s1, v12  }
0x17a: {  	v22 =	vadd.f32 v24, v22  }
0x17b: {  	v16 =	vmov v18;
	v18 =	vld.idx.msk [tilespmem:v23+s17+$0x0], $0xffff  }
0x17c: {  	_ =	sdelay $0x3  }
0x17d: {  	v19 =	vld.idx.msk [tilespmem:v19+s17+$0x0], $0xffff  }
0x17e: {  	v20 =	vld.idx.msk [tilespmem:v20+s17+$0x0], $0xffff  }
0x17f: {  	v21 =	vld.idx.msk [tilespmem:v21+s17+$0x0], $0xffff;
	_ =	sdelay $0x1  }
0x180: {  	v14 =	vadd.f32 v15, v14;
	v15 =	vadd.f32 v16, v17;
	_ =	sdelay $0x1  }
0x181: {  	v13 =	vadd.f32 v22, v13;
	v14 =	vadd.f32 v15, v14  }
0x182: {  	v15 =	vadd.f32 v20, v19;
	v16 =	vadd.f32 v18, v21;
	_ =	sdelay $0x1  }
0x183: {  	v13 =	vadd.f32 v14, v13;
	v14 =	vadd.f32 v16, v15;
	_ =	sdelay $0x1  }
0x184: {  	s0 =	simm.s32 $0x3;
	v13 =	vadd.f32 v14, v13  }
0x185: {  	s14 =	simm.s32 $0x2;
	v14 =	vadd.s32 s0, v11  }
0x186: {  	s1 =	simm.s32 $0x0;
	v16 =	vadd.s32 s14, v11;
	[tilespmem:$0xF950] =	vst v13  }
0x187: {  	v13 =	vadd.s32 s1, v11;
	s1 =	simm.s32 $0x1;
	_ =	swait.ge [sflag:s26], $0x1900  }
0x188: {  	v15 =	vadd.s32 s1, v11;
	[sflag:s26] =	ssyncset.done $0x0  }
0x189: {  	[sflag:s26] =	ssyncadd.s32 $0xFFFFE700  }
0x18a: {  	s30 =	simm.s32 $0x7;
	v17 =	vld.idx.msk [tilespmem:v14+s19+$0x0], $0xffff  }
0x18b: {  	s31 =	simm.s32 $0x4;
	v14 =	vadd.s32 s30, v11;
	v21 =	vld.idx.msk [tilespmem:v16+s19+$0x0], $0xffff  }
0x18c: {  	v19 =	vadd.s32 s31, v11;
	s14 =	simm.s32 $0x5;
	v18 =	vld.idx.msk [tilespmem:v13+s19+$0x0], $0xffff  }
0x18d: {  	s30 =	simm.s32 $0x6;
	v20 =	vld.idx.msk [tilespmem:v15+s19+$0x0], $0xffff;
	v15 =	vadd.s32 s14, v11  }
0x18e: {  	v22 =	vadd.s32 s30, v11  }
0x18f: {  	s31 =	simm.s32 $0xB;
	v13 =	vld [tilespmem:$0xF8E0]  }
0x190: {  	v23 =	vadd.s32 s31, v11;
	s14 =	simm.s32 $0x8;
	v16 =	vld.idx.msk [tilespmem:v14+s19+$0x0], $0xffff  }
0x191: {  	s30 =	simm.s32 $0x9;
	v14 =	vld.idx.msk [tilespmem:v19+s19+$0x0], $0xffff;
	v19 =	vadd.s32 s14, v11  }
0x192: {  	s31 =	simm.s32 $0xA;
	v24 =	vadd.f32 v17, v21;
	v15 =	vld.idx.msk [tilespmem:v15+s19+$0x0], $0xffff;
	v18 =	vadd.f32 v20, v18;
	v20 =	vadd.s32 s30, v11  }
0x193: {  	v21 =	vadd.s32 s31, v11;
	v17 =	vld.idx.msk [tilespmem:v22+s19+$0x0], $0xffff  }
0x194: {  	v22 =	vadd.f32 v24, v18  }
0x195: {  	s0 =	simm.s32 $0xF;
	v18 =	vld.idx.msk [tilespmem:v23+s19+$0x0], $0xffff  }
.LBB2_22:
0x196: {  	s1 =	sadd.s32 $0xFFFFFFFD, s0;
	v23 =	vadd.s32 s0, v11;
	v13 =	vadd.f32 v22, v13;
	v22 =	vmov v14;
	v14 =	vld.idx.msk [tilespmem:v19+s19+$0x0], $0xffff;
	p0 =	sne.s32 s0, $0xC7  }
.Ltmp10:
0x197: {  	v24 =	vmov v15;
	v19 =	vadd.s32 s1, v11;
	s1 =	sadd.s32 $0xFFFFFFFE, s0;
	v15 =	vld.idx.msk [tilespmem:v20+s19+$0x0], $0xffff;
	(pc) =	sbr.rel @p0 .LBB2_22-.Ltmp10, $4  }
0x198: {  	v22 =	vadd.f32 v24, v22;
	v24 =	vadd.f32 v16, v17;
	v20 =	vadd.s32 s1, v11;
	s1 =	sadd.s32 $0xFFFFFFFF, s0;
	s0 =	sadd.s32 $0x4, s0;
	v17 =	vld.idx.msk [tilespmem:v21+s19+$0x0], $0xffff  }
0x199: {  	v21 =	vadd.s32 s1, v11  }
0x19a: {  	v22 =	vadd.f32 v24, v22  }
0x19b: {  	v16 =	vmov v18;
	v18 =	vld.idx.msk [tilespmem:v23+s19+$0x0], $0xffff  }
0x19c: {  	_ =	sdelay $0x3  }
0x19d: {  	v19 =	vld.idx.msk [tilespmem:v19+s19+$0x0], $0xffff  }
0x19e: {  	v20 =	vld.idx.msk [tilespmem:v20+s19+$0x0], $0xffff  }
0x19f: {  	v21 =	vld.idx.msk [tilespmem:v21+s19+$0x0], $0xffff;
	_ =	sdelay $0x1  }
0x1a0: {  	v14 =	vadd.f32 v15, v14;
	v15 =	vadd.f32 v16, v17;
	_ =	sdelay $0x1  }
0x1a1: {  	v13 =	vadd.f32 v22, v13;
	v14 =	vadd.f32 v15, v14  }
0x1a2: {  	v15 =	vadd.f32 v20, v19;
	v16 =	vadd.f32 v18, v21  }
0x1a3: {  	s0 =	simm.s32 $0x3  }
0x1a4: {  	s1 =	simm.s32 $0x0;
	v13 =	vadd.f32 v14, v13;
	v14 =	vadd.f32 v16, v15;
	v15 =	vadd.s32 s0, v12  }
0x1a5: {  	v16 =	vadd.s32 s1, v12;
	s1 =	simm.s32 $0x1  }
0x1a6: {  	s14 =	simm.s32 $0x2;
	v13 =	vadd.f32 v14, v13;
	v14 =	vadd.s32 s1, v12  }
0x1a7: {  	v17 =	vadd.s32 s14, v12  }
0x1a8: {  	s31 =	simm.s32 $0x4;
	[tilespmem:$0xF960] =	vst v13  }
0x1a9: {  	s30 =	simm.s32 $0x7;
	v20 =	vadd.s32 s31, v12;
	v18 =	vld.idx.msk [tilespmem:v15+s19+$0x0], $0xffff  }
0x1aa: {  	s14 =	simm.s32 $0x5;
	v15 =	vadd.s32 s30, v12;
	v19 =	vld.idx.msk [tilespmem:v16+s19+$0x0], $0xffff  }
0x1ab: {  	v22 =	vadd.s32 s14, v12;
	v21 =	vld.idx.msk [tilespmem:v14+s19+$0x0], $0xffff  }
0x1ac: {  	s30 =	simm.s32 $0x6;
	v17 =	vld.idx.msk [tilespmem:v17+s19+$0x0], $0xffff  }
0x1ad: {  	v13 =	vld [tilespmem:$0xF8F0];
	v23 =	vadd.s32 s30, v12  }
0x1ae: {  	s31 =	simm.s32 $0xB;
	v14 =	vld.idx.msk [tilespmem:v20+s19+$0x0], $0xffff  }
0x1af: {  	s14 =	simm.s32 $0x8;
	v24 =	vadd.s32 s31, v12;
	v16 =	vld.idx.msk [tilespmem:v15+s19+$0x0], $0xffff  }
0x1b0: {  	s30 =	simm.s32 $0x9;
	v15 =	vld.idx.msk [tilespmem:v22+s19+$0x0], $0xffff;
	v22 =	vadd.f32 v21, v19;
	v19 =	vadd.s32 s14, v12  }
0x1b1: {  	s31 =	simm.s32 $0xA;
	v20 =	vadd.s32 s30, v12;
	v18 =	vadd.f32 v18, v17  }
0x1b2: {  	v17 =	vld.idx.msk [tilespmem:v23+s19+$0x0], $0xffff;
	v21 =	vadd.s32 s31, v12  }
0x1b3: {  	v22 =	vadd.f32 v18, v22  }
0x1b4: {  	s0 =	simm.s32 $0xF;
	v18 =	vld.idx.msk [tilespmem:v24+s19+$0x0], $0xffff  }
.LBB2_24:
0x1b5: {  	s1 =	sadd.s32 $0xFFFFFFFD, s0;
	v23 =	vadd.s32 s0, v12;
	v13 =	vadd.f32 v22, v13;
	v22 =	vmov v14;
	v14 =	vld.idx.msk [tilespmem:v19+s19+$0x0], $0xffff;
	p0 =	sne.s32 s0, $0xC7  }
.Ltmp11:
0x1b6: {  	v24 =	vmov v15;
	v19 =	vadd.s32 s1, v12;
	s1 =	sadd.s32 $0xFFFFFFFE, s0;
	v15 =	vld.idx.msk [tilespmem:v20+s19+$0x0], $0xffff;
	(pc) =	sbr.rel @p0 .LBB2_24-.Ltmp11, $4  }
0x1b7: {  	v22 =	vadd.f32 v24, v22;
	v24 =	vadd.f32 v16, v17;
	v20 =	vadd.s32 s1, v12;
	s1 =	sadd.s32 $0xFFFFFFFF, s0;
	s0 =	sadd.s32 $0x4, s0;
	v17 =	vld.idx.msk [tilespmem:v21+s19+$0x0], $0xffff  }
0x1b8: {  	v21 =	vadd.s32 s1, v12  }
0x1b9: {  	v22 =	vadd.f32 v24, v22  }
0x1ba: {  	v16 =	vmov v18;
	v18 =	vld.idx.msk [tilespmem:v23+s19+$0x0], $0xffff  }
0x1bb: {  	_ =	sdelay $0x3  }
0x1bc: {  	v19 =	vld.idx.msk [tilespmem:v19+s19+$0x0], $0xffff  }
0x1bd: {  	v20 =	vld.idx.msk [tilespmem:v20+s19+$0x0], $0xffff  }
0x1be: {  	v21 =	vld.idx.msk [tilespmem:v21+s19+$0x0], $0xffff;
	_ =	sdelay $0x1  }
0x1bf: {  	v14 =	vadd.f32 v15, v14;
	v15 =	vadd.f32 v16, v17;
	_ =	sdelay $0x1  }
0x1c0: {  	v13 =	vadd.f32 v22, v13;
	v14 =	vadd.f32 v15, v14  }
0x1c1: {  	v15 =	vadd.f32 v20, v19;
	v63 =	vadd.f32 v18, v21;
	_ =	sdelay $0x1  }
0x1c2: {  	v13 =	vadd.f32 v14, v13;
	v14 =	vadd.f32 v63, v15;
	_ =	sdelay $0x1  }
0x1c3: {  	s29 =	sadd.s32 $0x1, s29;
	v13 =	vadd.f32 v14, v13  }
0x1c4: {  	p0 =	sne.s32 s29, s8  }
.Ltmp12:
0x1c5: {  	[tilespmem:$0xF970] =	vst v13;
	(pc) =	sbr.rel @p0 .LBB2_1-.Ltmp12, $4  }
0x1c6: {  	[hbm4b:s7+s2] =	stream.linear.scatter [tilespmem:s28], [sflag:$0x6], $0x80, $0x38;
	[tilespmem:$0xF980] =	vst v63  }
0x1c7: {  	_ =	swait.ge [sflag:s9], $0x80  }
0x1c8: {  	[sflag:s9] =	ssyncset.done $0x0  }
0x1c9: {  	[sflag:s9] =	ssyncadd.s32 $0xFFFFFF80  }
0x1ca: {  	_ =	sfence.sel $0x180000  }
0x1cb: {  	[bflag:$0x0] =	sbarrier.arrive $0xFFFF  }
0x1cc: {  	_ =	strace $0x90000047  }
0x1cd: {  	s0 =	stileid.u32;
	[bflag:$0x2] =	sbarrier.arrive $0xFFFF  }
0x1ce: {  	p0 =	sne.s32 s0, $0x0;
	s0 =	rddreg [dreg:$0x2]  }
0x1cf: {  	s0 =	sadd.s32 @!p0 $0x100000, s0  }
0x1d0: {  	[sflag:s0] =	ssyncadd.tile.s32 @!p0 $0x1;
	_ =	shalt  }
.Lfunc_end2:
_tile_overlayer_lowered:
.L_overlay_start_2:
0x1d1: {  	(tag) =	ssettag $0x2  }
0x1d2: {  	s0 =	rddreg [dreg:$0x0];
	s2 =	stileid.u32  }
0x1d3: {  	s1 =	rddreg [dreg:$0x1];
	p0 =	sne.s32 s2, $0x0  }
0x1d4: {  	s3 =	rddreg [dreg:$0x2];
	[bflag:$0x3] =	sbarrier.arrive $0xFFFF;
	s2 =	simm.s32 @!p0 $0x1C06  }
0x1d5: {  	[timem:s3], [sflag:s2] =	dma.local @!p0 [hbm:s0], s1  }
0x1d6: {  	s0 =	simm.s32 @!p0 $0x6  }
0x1d7: {  	_ =	swait.ge @!p0 [sflag:s0], s1  }
0x1d8: {  	s1 =	ssub.s32 @!p0 $0x0, s1;
	[sflag:s0] =	ssyncset.done @!p0 $0x0  }
0x1d9: {  	[sflag:s0] =	ssyncadd.s32 @!p0 s1  }
0x1da: {  	[bflag:$0x3] =	sbarrier.arrive $0xFFFF  }
0x1db: {  	_ =	shalt  }

</sc_bundles>
